<compile_context>
chip_gen: v7x
topology: tpu7x:2x2x1
jax: 0.10.2.dev20260603
libtpu: 0.0.44.dev20260713+nightly
codegen_flags: <defaults>
</compile_context>

<pallas_src>
import functools

import jax
import jax.numpy as jnp
from jax import lax
from jax.experimental import pallas as pl
from jax.experimental.pallas import tpu as pltpu
from jax.experimental.pallas import tpu_sc as plsc

N_NODES = 10000
N_EDGES = 320000
D_FEAT = 128
H_DIM = 512
EMB_DIM = 128

NC = 2
NS = 16
DH = D_FEAT // NC
CH = 128
K = (-(-N_EDGES // (NS * CH)) + 1) & ~1
E_PAD = NS * K * CH
_BN = 1024
N_PAD = -(-(N_NODES + 1) // _BN) * _BN
ROWS_PER_TILE = N_PAD // NS

_mesh = plsc.VectorSubcoreMesh(core_axis_name="c", subcore_axis_name="s")


@functools.partial(
    pl.kernel,
    out_type=(
        jax.ShapeDtypeStruct((NC, N_PAD, DH), jnp.float32),
        jax.ShapeDtypeStruct((NC, N_PAD, 16), jnp.float32),
    ),
    mesh=_mesh,
    compiler_params=pltpu.CompilerParams(use_tc_tiling_on_sc=False),
    scratch_types=[
        pltpu.VMEM((K, CH), jnp.int32),
        pltpu.VMEM((K, CH), jnp.int32),
        pltpu.VMEM((2, CH, DH), jnp.float32),
        pltpu.VMEM((CH, 16), jnp.float32),
        pltpu.VMEM_SHARED((N_PAD, DH), jnp.float32),
        pltpu.VMEM_SHARED((N_PAD, 16), jnp.float32),
        pltpu.SemaphoreType.DMA,
        pltpu.SemaphoreType.DMA,
        pltpu.SemaphoreType.DMA,
    ],
)
def _sc_segment_sum(xs_hbm, src_hbm, dst_hbm, z64_hbm, z16_hbm, ones_hbm,
                    agg_hbm, deg_hbm,
                    src_v, dst_v, rows_v, ones_v, agg_sh, deg_sh,
                    gsem0, gsem1, osem):
    c = lax.axis_index("c")
    s = lax.axis_index("s")
    pltpu.sync_copy(src_hbm.at[s], src_v)
    pltpu.sync_copy(dst_hbm.at[s], dst_v)
    pltpu.sync_copy(ones_hbm, ones_v)
    r0 = s * ROWS_PER_TILE
    pltpu.sync_copy(z64_hbm.at[pl.ds(r0, ROWS_PER_TILE)],
                    agg_sh.at[pl.ds(r0, ROWS_PER_TILE)])
    pltpu.sync_copy(z16_hbm.at[pl.ds(r0, ROWS_PER_TILE)],
                    deg_sh.at[pl.ds(r0, ROWS_PER_TILE)])
    plsc.subcore_barrier()

    def _gather_start(j, b, sem):
        pltpu.async_copy(xs_hbm.at[c].at[src_v.at[j]], rows_v.at[b], sem)

    def _gather_wait(j, b, sem):
        pltpu.make_async_copy(xs_hbm.at[c].at[src_v.at[j]], rows_v.at[b],
                              sem).wait()

    def _ones_start(j):
        pltpu.async_copy(ones_v, deg_sh.at[dst_v.at[j]], osem, add=True)

    def _ones_wait(j):
        pltpu.make_async_copy(ones_v, deg_sh.at[dst_v.at[j]], osem).wait()

    _gather_start(0, 0, gsem0)

    @pl.loop(0, K, step=2)
    def _(j):
        _gather_start(j + 1, 1, gsem1)
        _gather_wait(j, 0, gsem0)
        pltpu.sync_copy(rows_v.at[0], agg_sh.at[dst_v.at[j]], add=True)

        @pl.when((c == 0) & (j >= 2))
        def _():
            _ones_wait(j - 2)

        @pl.when(c == 0)
        def _():
            _ones_start(j)

        @pl.when(j + 2 < K)
        def _():
            _gather_start(j + 2, 0, gsem0)

        _gather_wait(j + 1, 1, gsem1)
        pltpu.sync_copy(rows_v.at[1], agg_sh.at[dst_v.at[j + 1]], add=True)

        @pl.when((c == 1) & (j >= 2))
        def _():
            _ones_wait(j - 1)

        @pl.when(c == 1)
        def _():
            _ones_start(j + 1)

    @pl.when(c == 0)
    def _():
        _ones_wait(K - 2)

    @pl.when(c == 1)
    def _():
        _ones_wait(K - 1)

    plsc.subcore_barrier()
    pltpu.sync_copy(agg_sh.at[pl.ds(r0, ROWS_PER_TILE)],
                    agg_hbm.at[c, pl.ds(r0, ROWS_PER_TILE)])
    pltpu.sync_copy(deg_sh.at[pl.ds(r0, ROWS_PER_TILE)],
                    deg_hbm.at[c, pl.ds(r0, ROWS_PER_TILE)])


def _dot(a, b):
    return jnp.dot(a, b, preferred_element_type=jnp.float32)


def _bf(v):
    return v.astype(jnp.bfloat16)


def _tc_local_body(x_ref, wl1, bl1, wl2, bl2, wg1t, bg1, el_ref, pre_ref):
    x = _bf(x_ref[...])
    hl = jnp.maximum(_dot(x, wl1[...]) + bl1[...], 0.0)
    el_ref[...] = _dot(_bf(hl), wl2[...]) + bl2[...]
    pre_ref[...] = _dot(x, wg1t[...]) + bg1[...]


def _tc_global_body(pre_ref, agg_ref, deg_ref, wg1b0, wg1b1, wg2, bg2, eg_ref):
    a = agg_ref[...]
    d = deg_ref[...]
    inv = 1.0 / jnp.maximum(d[0, :, 0:1] + d[1, :, 0:1], 1.0)
    h = jnp.maximum(pre_ref[...] + _dot(_bf(a[0] * inv), wg1b0[...])
                    + _dot(_bf(a[1] * inv), wg1b1[...]), 0.0)
    eg_ref[...] = _dot(_bf(h), wg2[...]) + bg2[...]


def _full(shape):
    return pl.BlockSpec(shape, lambda i: tuple(0 for _ in shape))


def kernel(x, edge_index, Wg1, bg1, Wg2, bg2, Wl1, bl1, Wl2, bl2):
    src = edge_index[0].astype(jnp.int32)
    dst = edge_index[1].astype(jnp.int32)
    src2 = jnp.concatenate(
        [src, jnp.zeros((E_PAD - N_EDGES,), jnp.int32)]).reshape(NS, K, CH)
    dst2 = jnp.concatenate(
        [dst, jnp.full((E_PAD - N_EDGES,), N_NODES, jnp.int32)]).reshape(NS, K, CH)
    xs = jnp.stack([x[:, :DH], x[:, DH:]])
    z64 = jnp.zeros((N_PAD, DH), jnp.float32)
    z16 = jnp.zeros((N_PAD, 16), jnp.float32)
    ones = jnp.ones((CH, 16), jnp.float32)

    agg2, deg = _sc_segment_sum(xs, src2, dst2, z64, z16, ones)

    n_blocks = -(-N_NODES // _BN)
    el, pre = pl.pallas_call(
        _tc_local_body,
        grid=(n_blocks,),
        in_specs=[
            pl.BlockSpec((_BN, D_FEAT), lambda i: (i, 0)),
            _full((D_FEAT, H_DIM)),
            _full((1, H_DIM)),
            _full((H_DIM, EMB_DIM)),
            _full((1, EMB_DIM)),
            _full((D_FEAT, H_DIM)),
            _full((1, H_DIM)),
        ],
        out_specs=[
            pl.BlockSpec((_BN, EMB_DIM), lambda i: (i, 0)),
            pl.BlockSpec((_BN, H_DIM), lambda i: (i, 0)),
        ],
        out_shape=[
            jax.ShapeDtypeStruct((N_NODES, EMB_DIM), jnp.float32),
            jax.ShapeDtypeStruct((N_NODES, H_DIM), jnp.float32),
        ],
    )(x, Wl1.astype(jnp.bfloat16), bl1.reshape(1, H_DIM),
      Wl2.astype(jnp.bfloat16), bl2.reshape(1, EMB_DIM),
      Wg1[:D_FEAT].astype(jnp.bfloat16), bg1.reshape(1, H_DIM))

    eg = pl.pallas_call(
        _tc_global_body,
        grid=(n_blocks,),
        in_specs=[
            pl.BlockSpec((_BN, H_DIM), lambda i: (i, 0)),
            pl.BlockSpec((NC, _BN, DH), lambda i: (0, i, 0)),
            pl.BlockSpec((NC, _BN, 16), lambda i: (0, i, 0)),
            _full((DH, H_DIM)),
            _full((DH, H_DIM)),
            _full((H_DIM, EMB_DIM)),
            _full((1, EMB_DIM)),
        ],
        out_specs=pl.BlockSpec((_BN, EMB_DIM), lambda i: (i, 0)),
        out_shape=jax.ShapeDtypeStruct((N_NODES, EMB_DIM), jnp.float32),
    )(pre, agg2, deg, Wg1[D_FEAT:D_FEAT + DH].astype(jnp.bfloat16),
      Wg1[D_FEAT + DH:].astype(jnp.bfloat16), Wg2.astype(jnp.bfloat16),
      bg2.reshape(1, EMB_DIM))

    return eg, el

# --- scband reference (transcript-rebuilt; emitter-appended) ---
"""Pipeline reference for scband-sdgnn-2551210574175 (READ-ONLY COPY).

The authoritative reference and input builder live on the scoring server;
editing this copy changes nothing except your own understanding.
"""

import jax, jax.numpy as jnp
import numpy as np

N_NODES = 10000
N_EDGES = 320000
D_FEAT = 128
H_DIM = 512
EMB_DIM = 128


def setup_inputs(seed: int = 0) -> dict:
    key = jax.random.key(seed)
    ks = jax.random.split(key, 10)
    x = jax.random.normal(ks[0], (N_NODES, D_FEAT), dtype=jnp.float32)
    edge_index = jax.random.randint(ks[1], (2, N_EDGES), 0, N_NODES, dtype=jnp.int64 if jax.config.jax_enable_x64 else jnp.int32).astype(jnp.int32)
    s = 1.0 / np.sqrt(D_FEAT)
    Wg1 = jax.random.uniform(ks[2], (2 * D_FEAT, H_DIM), dtype=jnp.float32, minval=-s, maxval=s)
    bg1 = jnp.zeros((H_DIM,), dtype=jnp.float32)
    Wg2 = jax.random.uniform(ks[3], (H_DIM, EMB_DIM), dtype=jnp.float32, minval=-1.0/np.sqrt(H_DIM), maxval=1.0/np.sqrt(H_DIM))
    bg2 = jnp.zeros((EMB_DIM,), dtype=jnp.float32)
    Wl1 = jax.random.uniform(ks[4], (D_FEAT, H_DIM), dtype=jnp.float32, minval=-s, maxval=s)
    bl1 = jnp.zeros((H_DIM,), dtype=jnp.float32)
    Wl2 = jax.random.uniform(ks[5], (H_DIM, EMB_DIM), dtype=jnp.float32, minval=-1.0/np.sqrt(H_DIM), maxval=1.0/np.sqrt(H_DIM))
    bl2 = jnp.zeros((EMB_DIM,), dtype=jnp.float32)
    return {"x": x, "edge_index": edge_index, "Wg1": Wg1, "bg1": bg1, "Wg2": Wg2, "bg2": bg2, "Wl1": Wl1, "bl1": bl1, "Wl2": Wl2, "bl2": bl2}


def reference(x, edge_index, Wg1, bg1, Wg2, bg2, Wl1, bl1, Wl2, bl2):
    # enc_global: mean-aggregation message passing (GraphSAGE-mean style)
    src = edge_index[0]
    dst = edge_index[1]
    msg = jnp.take(x, src, axis=0)                                   # gather [E, d]
    agg = jax.ops.segment_sum(msg, dst, num_segments=N_NODES)        # scatter-add
    deg = jax.ops.segment_sum(jnp.ones((msg.shape[0],), jnp.float32), dst, num_segments=N_NODES)
    mean_neigh = agg / jnp.clip(deg, 1.0, None)[:, None]
    h = jax.nn.relu(jnp.concatenate([x, mean_neigh], axis=1) @ Wg1 + bg1)
    embeds_global = h @ Wg2 + bg2
    # enc_local: per-node MLP over local features
    hl = jax.nn.relu(x @ Wl1 + bl1)
    embeds_local = hl @ Wl2 + bl2
    return (embeds_global, embeds_local)

if __name__ == "__main__":
    import jax
    _d = setup_inputs()
    print(jax.jit(kernel)(*tuple(_d.values())))

</pallas_src>

<mosaic_0001>
#map = affine_map<(d0, d1) -> (0, 0, 0)>
#map1 = affine_map<(d0, d1) -> (0, 0)>
module attributes {stable_mosaic.version = 14 : i64} {
  func.func @_sc_segment_sum(%arg0: i32, %arg1: i32, %arg2: memref<2x10000x64xf32, #tpu.memory_space<hbm>>, %arg3: memref<16x158x128xi32, #tpu.memory_space<hbm>>, %arg4: memref<16x158x128xi32, #tpu.memory_space<hbm>>, %arg5: memref<10240x64xf32, #tpu.memory_space<hbm>>, %arg6: memref<10240x16xf32, #tpu.memory_space<hbm>>, %arg7: memref<128x16xf32, #tpu.memory_space<hbm>>, %arg8: memref<2x10240x64xf32, #tpu.memory_space<hbm>>, %arg9: memref<2x10240x16xf32, #tpu.memory_space<hbm>>, %arg10: memref<158x128xi32, #tpu.memory_space<vmem>>, %arg11: memref<158x128xi32, #tpu.memory_space<vmem>>, %arg12: memref<2x128x64xf32, #tpu.memory_space<vmem>>, %arg13: memref<128x16xf32, #tpu.memory_space<vmem>>, %arg14: memref<10240x64xf32, #tpu.memory_space<vmem_shared>>, %arg15: memref<10240x16xf32, #tpu.memory_space<vmem_shared>>, %arg16: memref<!tpu.dma_semaphore, #tpu.memory_space<semaphore_mem>>, %arg17: memref<!tpu.dma_semaphore, #tpu.memory_space<semaphore_mem>>, %arg18: memref<!tpu.dma_semaphore, #tpu.memory_space<semaphore_mem>>) attributes {dimension_semantics = [#tpu.dimension_semantics<core_parallel>, #tpu.dimension_semantics<subcore_parallel>], iteration_bounds = array<i64: 2, 16>, scalar_prefetch = 0 : i64, scratch_operands = 9 : i64, tpu.core_type = #tpu.core_type<sc_vector_subcore>, window_params = [{transform_indices = #map}, {transform_indices = #map}, {transform_indices = #map}, {transform_indices = #map1}, {transform_indices = #map1}, {transform_indices = #map1}, {transform_indices = #map}, {transform_indices = #map}]} {
    "tpu.region"() ({
      %run_scoped3A = tpu.sem_alloc : memref<!tpu.dma_semaphore, #tpu.memory_space<semaphore_mem>>
      %dma_start3A_28 = arith.constant 0 : i32
      %dma_start3A_29 = arith.constant 0 : i32
      %dma_start3A_30 = tpu.memref_slice %arg3[%arg1, %dma_start3A_28, %dma_start3A_29] : memref<16x158x128xi32, #tpu.memory_space<hbm>> -> memref<1x158x128xi32, #tpu.memory_space<hbm>>
      %dma_start3A_31 = tpu.memref_squeeze %dma_start3A_30 : memref<1x158x128xi32, #tpu.memory_space<hbm>> -> memref<158x128xi32, #tpu.memory_space<hbm>>
      %dma_start3A_32 = arith.constant 0 : i32
      %dma_start3A_33 = arith.constant 0 : i32
      %dma_start3A_34 = tpu.memref_slice %arg3[%arg1, %dma_start3A_32, %dma_start3A_33] : memref<16x158x128xi32, #tpu.memory_space<hbm>> -> memref<1x158x128xi32, #tpu.memory_space<hbm>>
      %dma_start3A_35 = tpu.memref_squeeze %dma_start3A_34 : memref<1x158x128xi32, #tpu.memory_space<hbm>> -> memref<158x128xi32, #tpu.memory_space<hbm>>
      tpu.enqueue_dma source(%dma_start3A_35 : memref<158x128xi32, #tpu.memory_space<hbm>>) target(%arg10 : memref<158x128xi32, #tpu.memory_space<vmem>>) target_semaphore(%run_scoped3A : memref<!tpu.dma_semaphore, #tpu.memory_space<semaphore_mem>>)
      %dma_wait3A = arith.constant 0 : i32
      %dma_wait3A_36 = arith.constant 0 : i32
      %dma_wait3A_37 = tpu.memref_slice %arg3[%arg1, %dma_wait3A, %dma_wait3A_36] : memref<16x158x128xi32, #tpu.memory_space<hbm>> -> memref<1x158x128xi32, #tpu.memory_space<hbm>>
      %dma_wait3A_38 = tpu.memref_squeeze %dma_wait3A_37 : memref<1x158x128xi32, #tpu.memory_space<hbm>> -> memref<158x128xi32, #tpu.memory_space<hbm>>
      %dma_wait3A_39 = arith.constant 0 : i32
      %dma_wait3A_40 = arith.constant 0 : i32
      %dma_wait3A_41 = tpu.memref_slice %arg3[%arg1, %dma_wait3A_39, %dma_wait3A_40] : memref<16x158x128xi32, #tpu.memory_space<hbm>> -> memref<1x158x128xi32, #tpu.memory_space<hbm>>
      %dma_wait3A_42 = tpu.memref_squeeze %dma_wait3A_41 : memref<1x158x128xi32, #tpu.memory_space<hbm>> -> memref<158x128xi32, #tpu.memory_space<hbm>>
      tpu.wait_dma2 semaphore(%run_scoped3A : memref<!tpu.dma_semaphore, #tpu.memory_space<semaphore_mem>>) src(%dma_wait3A_42 : memref<158x128xi32, #tpu.memory_space<hbm>>) dst(%arg10 : memref<158x128xi32, #tpu.memory_space<vmem>>)
      tpu.yield
    }) : () -> ()
    "tpu.region"() ({
      %run_scoped3A = tpu.sem_alloc : memref<!tpu.dma_semaphore, #tpu.memory_space<semaphore_mem>>
      %dma_start3A_28 = arith.constant 0 : i32
      %dma_start3A_29 = arith.constant 0 : i32
      %dma_start3A_30 = tpu.memref_slice %arg4[%arg1, %dma_start3A_28, %dma_start3A_29] : memref<16x158x128xi32, #tpu.memory_space<hbm>> -> memref<1x158x128xi32, #tpu.memory_space<hbm>>
      %dma_start3A_31 = tpu.memref_squeeze %dma_start3A_30 : memref<1x158x128xi32, #tpu.memory_space<hbm>> -> memref<158x128xi32, #tpu.memory_space<hbm>>
      %dma_start3A_32 = arith.constant 0 : i32
      %dma_start3A_33 = arith.constant 0 : i32
      %dma_start3A_34 = tpu.memref_slice %arg4[%arg1, %dma_start3A_32, %dma_start3A_33] : memref<16x158x128xi32, #tpu.memory_space<hbm>> -> memref<1x158x128xi32, #tpu.memory_space<hbm>>
      %dma_start3A_35 = tpu.memref_squeeze %dma_start3A_34 : memref<1x158x128xi32, #tpu.memory_space<hbm>> -> memref<158x128xi32, #tpu.memory_space<hbm>>
      tpu.enqueue_dma source(%dma_start3A_35 : memref<158x128xi32, #tpu.memory_space<hbm>>) target(%arg11 : memref<158x128xi32, #tpu.memory_space<vmem>>) target_semaphore(%run_scoped3A : memref<!tpu.dma_semaphore, #tpu.memory_space<semaphore_mem>>)
      %dma_wait3A = arith.constant 0 : i32
      %dma_wait3A_36 = arith.constant 0 : i32
      %dma_wait3A_37 = tpu.memref_slice %arg4[%arg1, %dma_wait3A, %dma_wait3A_36] : memref<16x158x128xi32, #tpu.memory_space<hbm>> -> memref<1x158x128xi32, #tpu.memory_space<hbm>>
      %dma_wait3A_38 = tpu.memref_squeeze %dma_wait3A_37 : memref<1x158x128xi32, #tpu.memory_space<hbm>> -> memref<158x128xi32, #tpu.memory_space<hbm>>
      %dma_wait3A_39 = arith.constant 0 : i32
      %dma_wait3A_40 = arith.constant 0 : i32
      %dma_wait3A_41 = tpu.memref_slice %arg4[%arg1, %dma_wait3A_39, %dma_wait3A_40] : memref<16x158x128xi32, #tpu.memory_space<hbm>> -> memref<1x158x128xi32, #tpu.memory_space<hbm>>
      %dma_wait3A_42 = tpu.memref_squeeze %dma_wait3A_41 : memref<1x158x128xi32, #tpu.memory_space<hbm>> -> memref<158x128xi32, #tpu.memory_space<hbm>>
      tpu.wait_dma2 semaphore(%run_scoped3A : memref<!tpu.dma_semaphore, #tpu.memory_space<semaphore_mem>>) src(%dma_wait3A_42 : memref<158x128xi32, #tpu.memory_space<hbm>>) dst(%arg11 : memref<158x128xi32, #tpu.memory_space<vmem>>)
      tpu.yield
    }) : () -> ()
    "tpu.region"() ({
      %run_scoped3A = tpu.sem_alloc : memref<!tpu.dma_semaphore, #tpu.memory_space<semaphore_mem>>
      tpu.enqueue_dma source(%arg7 : memref<128x16xf32, #tpu.memory_space<hbm>>) target(%arg13 : memref<128x16xf32, #tpu.memory_space<vmem>>) target_semaphore(%run_scoped3A : memref<!tpu.dma_semaphore, #tpu.memory_space<semaphore_mem>>)
      tpu.wait_dma2 semaphore(%run_scoped3A : memref<!tpu.dma_semaphore, #tpu.memory_space<semaphore_mem>>) src(%arg7 : memref<128x16xf32, #tpu.memory_space<hbm>>) dst(%arg13 : memref<128x16xf32, #tpu.memory_space<vmem>>)
      tpu.yield
    }) : () -> ()
    %mul3A = arith.constant 640 : i32
    %mul3A_0 = arith.muli %arg1, %mul3A : i32
    "tpu.region"() ({
      %run_scoped3A = tpu.sem_alloc : memref<!tpu.dma_semaphore, #tpu.memory_space<semaphore_mem>>
      %dma_start3A_28 = arith.constant 0 : i32
      %dma_start3A_29 = tpu.memref_slice %arg14[%mul3A_0, %dma_start3A_28] : memref<10240x64xf32, #tpu.memory_space<vmem_shared>> -> memref<640x64xf32, #tpu.memory_space<vmem_shared>>
      %dma_start3A_30 = arith.constant 0 : i32
      %dma_start3A_31 = tpu.memref_slice %arg5[%mul3A_0, %dma_start3A_30] : memref<10240x64xf32, #tpu.memory_space<hbm>> -> memref<640x64xf32, #tpu.memory_space<hbm>>
      tpu.enqueue_dma source(%dma_start3A_31 : memref<640x64xf32, #tpu.memory_space<hbm>>) target(%dma_start3A_29 : memref<640x64xf32, #tpu.memory_space<vmem_shared>>) target_semaphore(%run_scoped3A : memref<!tpu.dma_semaphore, #tpu.memory_space<semaphore_mem>>)
      %dma_wait3A = arith.constant 0 : i32
      %dma_wait3A_32 = tpu.memref_slice %arg14[%mul3A_0, %dma_wait3A] : memref<10240x64xf32, #tpu.memory_space<vmem_shared>> -> memref<640x64xf32, #tpu.memory_space<vmem_shared>>
      %dma_wait3A_33 = arith.constant 0 : i32
      %dma_wait3A_34 = tpu.memref_slice %arg5[%mul3A_0, %dma_wait3A_33] : memref<10240x64xf32, #tpu.memory_space<hbm>> -> memref<640x64xf32, #tpu.memory_space<hbm>>
      tpu.wait_dma2 semaphore(%run_scoped3A : memref<!tpu.dma_semaphore, #tpu.memory_space<semaphore_mem>>) src(%dma_wait3A_34 : memref<640x64xf32, #tpu.memory_space<hbm>>) dst(%dma_wait3A_32 : memref<640x64xf32, #tpu.memory_space<vmem_shared>>)
      tpu.yield
    }) : () -> ()
    "tpu.region"() ({
      %run_scoped3A = tpu.sem_alloc : memref<!tpu.dma_semaphore, #tpu.memory_space<semaphore_mem>>
      %dma_start3A_28 = arith.constant 0 : i32
      %dma_start3A_29 = tpu.memref_slice %arg15[%mul3A_0, %dma_start3A_28] : memref<10240x16xf32, #tpu.memory_space<vmem_shared>> -> memref<640x16xf32, #tpu.memory_space<vmem_shared>>
      %dma_start3A_30 = arith.constant 0 : i32
      %dma_start3A_31 = tpu.memref_slice %arg6[%mul3A_0, %dma_start3A_30] : memref<10240x16xf32, #tpu.memory_space<hbm>> -> memref<640x16xf32, #tpu.memory_space<hbm>>
      tpu.enqueue_dma source(%dma_start3A_31 : memref<640x16xf32, #tpu.memory_space<hbm>>) target(%dma_start3A_29 : memref<640x16xf32, #tpu.memory_space<vmem_shared>>) target_semaphore(%run_scoped3A : memref<!tpu.dma_semaphore, #tpu.memory_space<semaphore_mem>>)
      %dma_wait3A = arith.constant 0 : i32
      %dma_wait3A_32 = tpu.memref_slice %arg15[%mul3A_0, %dma_wait3A] : memref<10240x16xf32, #tpu.memory_space<vmem_shared>> -> memref<640x16xf32, #tpu.memory_space<vmem_shared>>
      %dma_wait3A_33 = arith.constant 0 : i32
      %dma_wait3A_34 = tpu.memref_slice %arg6[%mul3A_0, %dma_wait3A_33] : memref<10240x16xf32, #tpu.memory_space<hbm>> -> memref<640x16xf32, #tpu.memory_space<hbm>>
      tpu.wait_dma2 semaphore(%run_scoped3A : memref<!tpu.dma_semaphore, #tpu.memory_space<semaphore_mem>>) src(%dma_wait3A_34 : memref<640x16xf32, #tpu.memory_space<hbm>>) dst(%dma_wait3A_32 : memref<640x16xf32, #tpu.memory_space<vmem_shared>>)
      tpu.yield
    }) : () -> ()
    %barrier3A = arith.constant 0 : index
    tpu.barrier barrier_id(%barrier3A)
    %dma_start3A = arith.constant 0 : i32
    %dma_start3A_1 = arith.constant 0 : i32
    %dma_start3A_2 = arith.constant 0 : i32
    %dma_start3A_3 = arith.constant 0 : i32
    %dma_start3A_4 = tpu.memref_slice %arg12[%dma_start3A_1, %dma_start3A_2, %dma_start3A_3] : memref<2x128x64xf32, #tpu.memory_space<vmem>> -> memref<1x128x64xf32, #tpu.memory_space<vmem>>
    %dma_start3A_5 = tpu.memref_squeeze %dma_start3A_4 : memref<1x128x64xf32, #tpu.memory_space<vmem>> -> memref<128x64xf32, #tpu.memory_space<vmem>>
    %dma_start3A_6 = arith.constant 0 : i32
    %dma_start3A_7 = tpu.memref_slice %arg10[%dma_start3A, %dma_start3A_6] : memref<158x128xi32, #tpu.memory_space<vmem>> -> memref<1x128xi32, #tpu.memory_space<vmem>>
    %dma_start3A_8 = tpu.memref_squeeze %dma_start3A_7 : memref<1x128xi32, #tpu.memory_space<vmem>> -> memref<128xi32, #tpu.memory_space<vmem>>
    %dma_start3A_9 = arith.constant 0 : i32
    %dma_start3A_10 = arith.constant 0 : i32
    %dma_start3A_11 = tpu.memref_slice %arg2[%arg0, %dma_start3A_9, %dma_start3A_10] : memref<2x10000x64xf32, #tpu.memory_space<hbm>> -> memref<1x10000x64xf32, #tpu.memory_space<hbm>>
    %dma_start3A_12 = tpu.memref_squeeze %dma_start3A_11 : memref<1x10000x64xf32, #tpu.memory_space<hbm>> -> memref<10000x64xf32, #tpu.memory_space<hbm>>
    %dma_start3A_13 = arith.constant 0 : i32
    %dma_start3A_14 = arith.constant 0 : i32
    %dma_start3A_15 = tpu.memref_slice %dma_start3A_12[%dma_start3A_13, %dma_start3A_14] : memref<10000x64xf32, #tpu.memory_space<hbm>> -> memref<10000x64xf32, #tpu.memory_space<hbm>>
    tpu.enqueue_indirect_dma source(%dma_start3A_15 : memref<10000x64xf32, #tpu.memory_space<hbm>>) target(%dma_start3A_5 : memref<128x64xf32, #tpu.memory_space<vmem>>) offsets(%dma_start3A_8 : memref<128xi32, #tpu.memory_space<vmem>>) semaphore(%arg16 : memref<!tpu.dma_semaphore, #tpu.memory_space<semaphore_mem>>)
    %scan3A = arith.constant 0 : i32
    %scan3A_16 = arith.constant 79 : i32
    %scan3A_17 = arith.addi %scan3A, %scan3A_16 : i32
    %scan3A_18 = arith.constant 1 : i32
    scf.for %scan3A_28 = %scan3A to %scan3A_17 step %scan3A_18  : i32 {
      %mul3A_29 = arith.constant 2 : i32
      %mul3A_30 = arith.muli %scan3A_28, %mul3A_29 : i32
      %add3A = arith.constant 0 : i32
      %add3A_31 = arith.addi %add3A, %mul3A_30 : i32
      %add3A_32 = arith.constant 1 : i32
      %add3A_33 = arith.addi %add3A_31, %add3A_32 : i32
      %dma_start3A_34 = arith.constant 1 : i32
      %dma_start3A_35 = arith.constant 0 : i32
      %dma_start3A_36 = arith.constant 0 : i32
      %dma_start3A_37 = tpu.memref_slice %arg12[%dma_start3A_34, %dma_start3A_35, %dma_start3A_36] : memref<2x128x64xf32, #tpu.memory_space<vmem>> -> memref<1x128x64xf32, #tpu.memory_space<vmem>>
      %dma_start3A_38 = tpu.memref_squeeze %dma_start3A_37 : memref<1x128x64xf32, #tpu.memory_space<vmem>> -> memref<128x64xf32, #tpu.memory_space<vmem>>
      %dma_start3A_39 = arith.constant 0 : i32
      %dma_start3A_40 = tpu.memref_slice %arg10[%add3A_33, %dma_start3A_39] : memref<158x128xi32, #tpu.memory_space<vmem>> -> memref<1x128xi32, #tpu.memory_space<vmem>>
      %dma_start3A_41 = tpu.memref_squeeze %dma_start3A_40 : memref<1x128xi32, #tpu.memory_space<vmem>> -> memref<128xi32, #tpu.memory_space<vmem>>
      %dma_start3A_42 = arith.constant 0 : i32
      %dma_start3A_43 = arith.constant 0 : i32
      %dma_start3A_44 = tpu.memref_slice %arg2[%arg0, %dma_start3A_42, %dma_start3A_43] : memref<2x10000x64xf32, #tpu.memory_space<hbm>> -> memref<1x10000x64xf32, #tpu.memory_space<hbm>>
      %dma_start3A_45 = tpu.memref_squeeze %dma_start3A_44 : memref<1x10000x64xf32, #tpu.memory_space<hbm>> -> memref<10000x64xf32, #tpu.memory_space<hbm>>
      %dma_start3A_46 = arith.constant 0 : i32
      %dma_start3A_47 = arith.constant 0 : i32
      %dma_start3A_48 = tpu.memref_slice %dma_start3A_45[%dma_start3A_46, %dma_start3A_47] : memref<10000x64xf32, #tpu.memory_space<hbm>> -> memref<10000x64xf32, #tpu.memory_space<hbm>>
      tpu.enqueue_indirect_dma source(%dma_start3A_48 : memref<10000x64xf32, #tpu.memory_space<hbm>>) target(%dma_start3A_38 : memref<128x64xf32, #tpu.memory_space<vmem>>) offsets(%dma_start3A_41 : memref<128xi32, #tpu.memory_space<vmem>>) semaphore(%arg17 : memref<!tpu.dma_semaphore, #tpu.memory_space<semaphore_mem>>)
      %dma_wait3A = arith.constant 0 : i32
      %dma_wait3A_49 = arith.constant 0 : i32
      %dma_wait3A_50 = arith.constant 0 : i32
      %dma_wait3A_51 = tpu.memref_slice %arg12[%dma_wait3A, %dma_wait3A_49, %dma_wait3A_50] : memref<2x128x64xf32, #tpu.memory_space<vmem>> -> memref<1x128x64xf32, #tpu.memory_space<vmem>>
      %dma_wait3A_52 = tpu.memref_squeeze %dma_wait3A_51 : memref<1x128x64xf32, #tpu.memory_space<vmem>> -> memref<128x64xf32, #tpu.memory_space<vmem>>
      %dma_wait3A_53 = arith.constant 0 : i32
      %dma_wait3A_54 = tpu.memref_slice %arg10[%add3A_31, %dma_wait3A_53] : memref<158x128xi32, #tpu.memory_space<vmem>> -> memref<1x128xi32, #tpu.memory_space<vmem>>
      %dma_wait3A_55 = tpu.memref_squeeze %dma_wait3A_54 : memref<1x128xi32, #tpu.memory_space<vmem>> -> memref<128xi32, #tpu.memory_space<vmem>>
      %dma_wait3A_56 = arith.constant 0 : i32
      %dma_wait3A_57 = arith.constant 0 : i32
      %dma_wait3A_58 = tpu.memref_slice %arg2[%arg0, %dma_wait3A_56, %dma_wait3A_57] : memref<2x10000x64xf32, #tpu.memory_space<hbm>> -> memref<1x10000x64xf32, #tpu.memory_space<hbm>>
      %dma_wait3A_59 = tpu.memref_squeeze %dma_wait3A_58 : memref<1x10000x64xf32, #tpu.memory_space<hbm>> -> memref<10000x64xf32, #tpu.memory_space<hbm>>
      %dma_wait3A_60 = arith.constant 0 : i32
      %dma_wait3A_61 = arith.constant 0 : i32
      %dma_wait3A_62 = tpu.memref_slice %dma_wait3A_59[%dma_wait3A_60, %dma_wait3A_61] : memref<10000x64xf32, #tpu.memory_space<hbm>> -> memref<10000x64xf32, #tpu.memory_space<hbm>>
      tpu.wait_indirect_dma semaphore(%arg16 : memref<!tpu.dma_semaphore, #tpu.memory_space<semaphore_mem>>) src(%dma_wait3A_62 : memref<10000x64xf32, #tpu.memory_space<hbm>>) dst(%dma_wait3A_52 : memref<128x64xf32, #tpu.memory_space<vmem>>)
      %run_scoped3A = arith.constant 0 : i32
      "tpu.region"() ({
        %run_scoped3A_113 = tpu.sem_alloc : memref<!tpu.dma_semaphore, #tpu.memory_space<semaphore_mem>>
        %dma_start3A_114 = arith.constant 0 : i32
        %dma_start3A_115 = arith.constant 0 : i32
        %dma_start3A_116 = tpu.memref_slice %arg12[%run_scoped3A, %dma_start3A_114, %dma_start3A_115] : memref<2x128x64xf32, #tpu.memory_space<vmem>> -> memref<1x128x64xf32, #tpu.memory_space<vmem>>
        %dma_start3A_117 = tpu.memref_squeeze %dma_start3A_116 : memref<1x128x64xf32, #tpu.memory_space<vmem>> -> memref<128x64xf32, #tpu.memory_space<vmem>>
        %dma_start3A_118 = arith.constant 0 : i32
        %dma_start3A_119 = tpu.memref_slice %arg11[%add3A_31, %dma_start3A_118] : memref<158x128xi32, #tpu.memory_space<vmem>> -> memref<1x128xi32, #tpu.memory_space<vmem>>
        %dma_start3A_120 = tpu.memref_squeeze %dma_start3A_119 : memref<1x128xi32, #tpu.memory_space<vmem>> -> memref<128xi32, #tpu.memory_space<vmem>>
        %dma_start3A_121 = arith.constant 0 : i32
        %dma_start3A_122 = arith.constant 0 : i32
        %dma_start3A_123 = tpu.memref_slice %arg14[%dma_start3A_121, %dma_start3A_122] : memref<10240x64xf32, #tpu.memory_space<vmem_shared>> -> memref<10240x64xf32, #tpu.memory_space<vmem_shared>>
        tpu.enqueue_indirect_dma source(%dma_start3A_117 : memref<128x64xf32, #tpu.memory_space<vmem>>) target(%dma_start3A_123 : memref<10240x64xf32, #tpu.memory_space<vmem_shared>>) offsets(%dma_start3A_120 : memref<128xi32, #tpu.memory_space<vmem>>) semaphore(%run_scoped3A_113 : memref<!tpu.dma_semaphore, #tpu.memory_space<semaphore_mem>>) {add = true}
        %dma_wait3A_124 = arith.constant 0 : i32
        %dma_wait3A_125 = arith.constant 0 : i32
        %dma_wait3A_126 = tpu.memref_slice %arg12[%run_scoped3A, %dma_wait3A_124, %dma_wait3A_125] : memref<2x128x64xf32, #tpu.memory_space<vmem>> -> memref<1x128x64xf32, #tpu.memory_space<vmem>>
        %dma_wait3A_127 = tpu.memref_squeeze %dma_wait3A_126 : memref<1x128x64xf32, #tpu.memory_space<vmem>> -> memref<128x64xf32, #tpu.memory_space<vmem>>
        %dma_wait3A_128 = arith.constant 0 : i32
        %dma_wait3A_129 = tpu.memref_slice %arg11[%add3A_31, %dma_wait3A_128] : memref<158x128xi32, #tpu.memory_space<vmem>> -> memref<1x128xi32, #tpu.memory_space<vmem>>
        %dma_wait3A_130 = tpu.memref_squeeze %dma_wait3A_129 : memref<1x128xi32, #tpu.memory_space<vmem>> -> memref<128xi32, #tpu.memory_space<vmem>>
        %dma_wait3A_131 = arith.constant 0 : i32
        %dma_wait3A_132 = arith.constant 0 : i32
        %dma_wait3A_133 = tpu.memref_slice %arg14[%dma_wait3A_131, %dma_wait3A_132] : memref<10240x64xf32, #tpu.memory_space<vmem_shared>> -> memref<10240x64xf32, #tpu.memory_space<vmem_shared>>
        tpu.wait_indirect_dma semaphore(%run_scoped3A_113 : memref<!tpu.dma_semaphore, #tpu.memory_space<semaphore_mem>>) src(%dma_wait3A_127 : memref<128x64xf32, #tpu.memory_space<vmem>>) dst(%dma_wait3A_133 : memref<10240x64xf32, #tpu.memory_space<vmem_shared>>)
        tpu.yield
      }) : () -> ()
      %eq3A_63 = arith.constant 0 : i32
      %eq3A_64 = arith.cmpi eq, %arg0, %eq3A_63 : i32
      %ge3A = arith.constant 2 : i32
      %ge3A_65 = arith.cmpi sge, %add3A_31, %ge3A : i32
      %and3A = arith.andi %eq3A_64, %ge3A_65 : i1
      %convert_element_type3A_66 = arith.extui %and3A : i1 to i32
      %cond3A_67 = arith.constant 0 : i32
      %cond3A_68 = arith.cmpi ne, %convert_element_type3A_66, %cond3A_67 : i32
      scf.if %cond3A_68 {
        %sub3A = arith.constant 2 : i32
        %sub3A_113 = arith.subi %add3A_31, %sub3A : i32
        %dma_wait3A_114 = arith.constant 0 : i32
        %dma_wait3A_115 = tpu.memref_slice %arg11[%sub3A_113, %dma_wait3A_114] : memref<158x128xi32, #tpu.memory_space<vmem>> -> memref<1x128xi32, #tpu.memory_space<vmem>>
        %dma_wait3A_116 = tpu.memref_squeeze %dma_wait3A_115 : memref<1x128xi32, #tpu.memory_space<vmem>> -> memref<128xi32, #tpu.memory_space<vmem>>
        %dma_wait3A_117 = arith.constant 0 : i32
        %dma_wait3A_118 = arith.constant 0 : i32
        %dma_wait3A_119 = tpu.memref_slice %arg15[%dma_wait3A_117, %dma_wait3A_118] : memref<10240x16xf32, #tpu.memory_space<vmem_shared>> -> memref<10240x16xf32, #tpu.memory_space<vmem_shared>>
        tpu.wait_indirect_dma semaphore(%arg18 : memref<!tpu.dma_semaphore, #tpu.memory_space<semaphore_mem>>) src(%arg13 : memref<128x16xf32, #tpu.memory_space<vmem>>) dst(%dma_wait3A_119 : memref<10240x16xf32, #tpu.memory_space<vmem_shared>>)
      } else {
      }
      %eq3A_69 = arith.constant 0 : i32
      %eq3A_70 = arith.cmpi eq, %arg0, %eq3A_69 : i32
      %convert_element_type3A_71 = arith.extui %eq3A_70 : i1 to i32
      %cond3A_72 = arith.constant 0 : i32
      %cond3A_73 = arith.cmpi ne, %convert_element_type3A_71, %cond3A_72 : i32
      scf.if %cond3A_73 {
        %dma_start3A_113 = arith.constant 0 : i32
        %dma_start3A_114 = tpu.memref_slice %arg11[%add3A_31, %dma_start3A_113] : memref<158x128xi32, #tpu.memory_space<vmem>> -> memref<1x128xi32, #tpu.memory_space<vmem>>
        %dma_start3A_115 = tpu.memref_squeeze %dma_start3A_114 : memref<1x128xi32, #tpu.memory_space<vmem>> -> memref<128xi32, #tpu.memory_space<vmem>>
        %dma_start3A_116 = arith.constant 0 : i32
        %dma_start3A_117 = arith.constant 0 : i32
        %dma_start3A_118 = tpu.memref_slice %arg15[%dma_start3A_116, %dma_start3A_117] : memref<10240x16xf32, #tpu.memory_space<vmem_shared>> -> memref<10240x16xf32, #tpu.memory_space<vmem_shared>>
        tpu.enqueue_indirect_dma source(%arg13 : memref<128x16xf32, #tpu.memory_space<vmem>>) target(%dma_start3A_118 : memref<10240x16xf32, #tpu.memory_space<vmem_shared>>) offsets(%dma_start3A_115 : memref<128xi32, #tpu.memory_space<vmem>>) semaphore(%arg18 : memref<!tpu.dma_semaphore, #tpu.memory_space<semaphore_mem>>) {add = true}
      } else {
      }
      %add3A_74 = arith.constant 2 : i32
      %add3A_75 = arith.addi %add3A_31, %add3A_74 : i32
      %lt3A = arith.constant 158 : i32
      %lt3A_76 = arith.cmpi slt, %add3A_75, %lt3A : i32
      %convert_element_type3A_77 = arith.extui %lt3A_76 : i1 to i32
      %cond3A_78 = arith.constant 0 : i32
      %cond3A_79 = arith.cmpi ne, %convert_element_type3A_77, %cond3A_78 : i32
      scf.if %cond3A_79 {
        %add3A_113 = arith.constant 2 : i32
        %add3A_114 = arith.addi %add3A_31, %add3A_113 : i32
        %dma_start3A_115 = arith.constant 0 : i32
        %dma_start3A_116 = arith.constant 0 : i32
        %dma_start3A_117 = arith.constant 0 : i32
        %dma_start3A_118 = tpu.memref_slice %arg12[%dma_start3A_115, %dma_start3A_116, %dma_start3A_117] : memref<2x128x64xf32, #tpu.memory_space<vmem>> -> memref<1x128x64xf32, #tpu.memory_space<vmem>>
        %dma_start3A_119 = tpu.memref_squeeze %dma_start3A_118 : memref<1x128x64xf32, #tpu.memory_space<vmem>> -> memref<128x64xf32, #tpu.memory_space<vmem>>
        %dma_start3A_120 = arith.constant 0 : i32
        %dma_start3A_121 = tpu.memref_slice %arg10[%add3A_114, %dma_start3A_120] : memref<158x128xi32, #tpu.memory_space<vmem>> -> memref<1x128xi32, #tpu.memory_space<vmem>>
        %dma_start3A_122 = tpu.memref_squeeze %dma_start3A_121 : memref<1x128xi32, #tpu.memory_space<vmem>> -> memref<128xi32, #tpu.memory_space<vmem>>
        %dma_start3A_123 = arith.constant 0 : i32
        %dma_start3A_124 = arith.constant 0 : i32
        %dma_start3A_125 = tpu.memref_slice %arg2[%arg0, %dma_start3A_123, %dma_start3A_124] : memref<2x10000x64xf32, #tpu.memory_space<hbm>> -> memref<1x10000x64xf32, #tpu.memory_space<hbm>>
        %dma_start3A_126 = tpu.memref_squeeze %dma_start3A_125 : memref<1x10000x64xf32, #tpu.memory_space<hbm>> -> memref<10000x64xf32, #tpu.memory_space<hbm>>
        %dma_start3A_127 = arith.constant 0 : i32
        %dma_start3A_128 = arith.constant 0 : i32
        %dma_start3A_129 = tpu.memref_slice %dma_start3A_126[%dma_start3A_127, %dma_start3A_128] : memref<10000x64xf32, #tpu.memory_space<hbm>> -> memref<10000x64xf32, #tpu.memory_space<hbm>>
        tpu.enqueue_indirect_dma source(%dma_start3A_129 : memref<10000x64xf32, #tpu.memory_space<hbm>>) target(%dma_start3A_119 : memref<128x64xf32, #tpu.memory_space<vmem>>) offsets(%dma_start3A_122 : memref<128xi32, #tpu.memory_space<vmem>>) semaphore(%arg16 : memref<!tpu.dma_semaphore, #tpu.memory_space<semaphore_mem>>)
      } else {
      }
      %add3A_80 = arith.constant 1 : i32
      %add3A_81 = arith.addi %add3A_31, %add3A_80 : i32
      %dma_wait3A_82 = arith.constant 1 : i32
      %dma_wait3A_83 = arith.constant 0 : i32
      %dma_wait3A_84 = arith.constant 0 : i32
      %dma_wait3A_85 = tpu.memref_slice %arg12[%dma_wait3A_82, %dma_wait3A_83, %dma_wait3A_84] : memref<2x128x64xf32, #tpu.memory_space<vmem>> -> memref<1x128x64xf32, #tpu.memory_space<vmem>>
      %dma_wait3A_86 = tpu.memref_squeeze %dma_wait3A_85 : memref<1x128x64xf32, #tpu.memory_space<vmem>> -> memref<128x64xf32, #tpu.memory_space<vmem>>
      %dma_wait3A_87 = arith.constant 0 : i32
      %dma_wait3A_88 = tpu.memref_slice %arg10[%add3A_81, %dma_wait3A_87] : memref<158x128xi32, #tpu.memory_space<vmem>> -> memref<1x128xi32, #tpu.memory_space<vmem>>
      %dma_wait3A_89 = tpu.memref_squeeze %dma_wait3A_88 : memref<1x128xi32, #tpu.memory_space<vmem>> -> memref<128xi32, #tpu.memory_space<vmem>>
      %dma_wait3A_90 = arith.constant 0 : i32
      %dma_wait3A_91 = arith.constant 0 : i32
      %dma_wait3A_92 = tpu.memref_slice %arg2[%arg0, %dma_wait3A_90, %dma_wait3A_91] : memref<2x10000x64xf32, #tpu.memory_space<hbm>> -> memref<1x10000x64xf32, #tpu.memory_space<hbm>>
      %dma_wait3A_93 = tpu.memref_squeeze %dma_wait3A_92 : memref<1x10000x64xf32, #tpu.memory_space<hbm>> -> memref<10000x64xf32, #tpu.memory_space<hbm>>
      %dma_wait3A_94 = arith.constant 0 : i32
      %dma_wait3A_95 = arith.constant 0 : i32
      %dma_wait3A_96 = tpu.memref_slice %dma_wait3A_93[%dma_wait3A_94, %dma_wait3A_95] : memref<10000x64xf32, #tpu.memory_space<hbm>> -> memref<10000x64xf32, #tpu.memory_space<hbm>>
      tpu.wait_indirect_dma semaphore(%arg17 : memref<!tpu.dma_semaphore, #tpu.memory_space<semaphore_mem>>) src(%dma_wait3A_96 : memref<10000x64xf32, #tpu.memory_space<hbm>>) dst(%dma_wait3A_86 : memref<128x64xf32, #tpu.memory_space<vmem>>)
      %add3A_97 = arith.constant 1 : i32
      %add3A_98 = arith.addi %add3A_31, %add3A_97 : i32
      %run_scoped3A_99 = arith.constant 1 : i32
      "tpu.region"() ({
        %run_scoped3A_113 = tpu.sem_alloc : memref<!tpu.dma_semaphore, #tpu.memory_space<semaphore_mem>>
        %dma_start3A_114 = arith.constant 0 : i32
        %dma_start3A_115 = arith.constant 0 : i32
        %dma_start3A_116 = tpu.memref_slice %arg12[%run_scoped3A_99, %dma_start3A_114, %dma_start3A_115] : memref<2x128x64xf32, #tpu.memory_space<vmem>> -> memref<1x128x64xf32, #tpu.memory_space<vmem>>
        %dma_start3A_117 = tpu.memref_squeeze %dma_start3A_116 : memref<1x128x64xf32, #tpu.memory_space<vmem>> -> memref<128x64xf32, #tpu.memory_space<vmem>>
        %dma_start3A_118 = arith.constant 0 : i32
        %dma_start3A_119 = tpu.memref_slice %arg11[%add3A_98, %dma_start3A_118] : memref<158x128xi32, #tpu.memory_space<vmem>> -> memref<1x128xi32, #tpu.memory_space<vmem>>
        %dma_start3A_120 = tpu.memref_squeeze %dma_start3A_119 : memref<1x128xi32, #tpu.memory_space<vmem>> -> memref<128xi32, #tpu.memory_space<vmem>>
        %dma_start3A_121 = arith.constant 0 : i32
        %dma_start3A_122 = arith.constant 0 : i32
        %dma_start3A_123 = tpu.memref_slice %arg14[%dma_start3A_121, %dma_start3A_122] : memref<10240x64xf32, #tpu.memory_space<vmem_shared>> -> memref<10240x64xf32, #tpu.memory_space<vmem_shared>>
        tpu.enqueue_indirect_dma source(%dma_start3A_117 : memref<128x64xf32, #tpu.memory_space<vmem>>) target(%dma_start3A_123 : memref<10240x64xf32, #tpu.memory_space<vmem_shared>>) offsets(%dma_start3A_120 : memref<128xi32, #tpu.memory_space<vmem>>) semaphore(%run_scoped3A_113 : memref<!tpu.dma_semaphore, #tpu.memory_space<semaphore_mem>>) {add = true}
        %dma_wait3A_124 = arith.constant 0 : i32
        %dma_wait3A_125 = arith.constant 0 : i32
        %dma_wait3A_126 = tpu.memref_slice %arg12[%run_scoped3A_99, %dma_wait3A_124, %dma_wait3A_125] : memref<2x128x64xf32, #tpu.memory_space<vmem>> -> memref<1x128x64xf32, #tpu.memory_space<vmem>>
        %dma_wait3A_127 = tpu.memref_squeeze %dma_wait3A_126 : memref<1x128x64xf32, #tpu.memory_space<vmem>> -> memref<128x64xf32, #tpu.memory_space<vmem>>
        %dma_wait3A_128 = arith.constant 0 : i32
        %dma_wait3A_129 = tpu.memref_slice %arg11[%add3A_98, %dma_wait3A_128] : memref<158x128xi32, #tpu.memory_space<vmem>> -> memref<1x128xi32, #tpu.memory_space<vmem>>
        %dma_wait3A_130 = tpu.memref_squeeze %dma_wait3A_129 : memref<1x128xi32, #tpu.memory_space<vmem>> -> memref<128xi32, #tpu.memory_space<vmem>>
        %dma_wait3A_131 = arith.constant 0 : i32
        %dma_wait3A_132 = arith.constant 0 : i32
        %dma_wait3A_133 = tpu.memref_slice %arg14[%dma_wait3A_131, %dma_wait3A_132] : memref<10240x64xf32, #tpu.memory_space<vmem_shared>> -> memref<10240x64xf32, #tpu.memory_space<vmem_shared>>
        tpu.wait_indirect_dma semaphore(%run_scoped3A_113 : memref<!tpu.dma_semaphore, #tpu.memory_space<semaphore_mem>>) src(%dma_wait3A_127 : memref<128x64xf32, #tpu.memory_space<vmem>>) dst(%dma_wait3A_133 : memref<10240x64xf32, #tpu.memory_space<vmem_shared>>)
        tpu.yield
      }) : () -> ()
      %eq3A_100 = arith.constant 1 : i32
      %eq3A_101 = arith.cmpi eq, %arg0, %eq3A_100 : i32
      %ge3A_102 = arith.constant 2 : i32
      %ge3A_103 = arith.cmpi sge, %add3A_31, %ge3A_102 : i32
      %and3A_104 = arith.andi %eq3A_101, %ge3A_103 : i1
      %convert_element_type3A_105 = arith.extui %and3A_104 : i1 to i32
      %cond3A_106 = arith.constant 0 : i32
      %cond3A_107 = arith.cmpi ne, %convert_element_type3A_105, %cond3A_106 : i32
      scf.if %cond3A_107 {
        %sub3A = arith.constant 1 : i32
        %sub3A_113 = arith.subi %add3A_31, %sub3A : i32
        %dma_wait3A_114 = arith.constant 0 : i32
        %dma_wait3A_115 = tpu.memref_slice %arg11[%sub3A_113, %dma_wait3A_114] : memref<158x128xi32, #tpu.memory_space<vmem>> -> memref<1x128xi32, #tpu.memory_space<vmem>>
        %dma_wait3A_116 = tpu.memref_squeeze %dma_wait3A_115 : memref<1x128xi32, #tpu.memory_space<vmem>> -> memref<128xi32, #tpu.memory_space<vmem>>
        %dma_wait3A_117 = arith.constant 0 : i32
        %dma_wait3A_118 = arith.constant 0 : i32
        %dma_wait3A_119 = tpu.memref_slice %arg15[%dma_wait3A_117, %dma_wait3A_118] : memref<10240x16xf32, #tpu.memory_space<vmem_shared>> -> memref<10240x16xf32, #tpu.memory_space<vmem_shared>>
        tpu.wait_indirect_dma semaphore(%arg18 : memref<!tpu.dma_semaphore, #tpu.memory_space<semaphore_mem>>) src(%arg13 : memref<128x16xf32, #tpu.memory_space<vmem>>) dst(%dma_wait3A_119 : memref<10240x16xf32, #tpu.memory_space<vmem_shared>>)
      } else {
      }
      %eq3A_108 = arith.constant 1 : i32
      %eq3A_109 = arith.cmpi eq, %arg0, %eq3A_108 : i32
      %convert_element_type3A_110 = arith.extui %eq3A_109 : i1 to i32
      %cond3A_111 = arith.constant 0 : i32
      %cond3A_112 = arith.cmpi ne, %convert_element_type3A_110, %cond3A_111 : i32
      scf.if %cond3A_112 {
        %add3A_113 = arith.constant 1 : i32
        %add3A_114 = arith.addi %add3A_31, %add3A_113 : i32
        %dma_start3A_115 = arith.constant 0 : i32
        %dma_start3A_116 = tpu.memref_slice %arg11[%add3A_114, %dma_start3A_115] : memref<158x128xi32, #tpu.memory_space<vmem>> -> memref<1x128xi32, #tpu.memory_space<vmem>>
        %dma_start3A_117 = tpu.memref_squeeze %dma_start3A_116 : memref<1x128xi32, #tpu.memory_space<vmem>> -> memref<128xi32, #tpu.memory_space<vmem>>
        %dma_start3A_118 = arith.constant 0 : i32
        %dma_start3A_119 = arith.constant 0 : i32
        %dma_start3A_120 = tpu.memref_slice %arg15[%dma_start3A_118, %dma_start3A_119] : memref<10240x16xf32, #tpu.memory_space<vmem_shared>> -> memref<10240x16xf32, #tpu.memory_space<vmem_shared>>
        tpu.enqueue_indirect_dma source(%arg13 : memref<128x16xf32, #tpu.memory_space<vmem>>) target(%dma_start3A_120 : memref<10240x16xf32, #tpu.memory_space<vmem_shared>>) offsets(%dma_start3A_117 : memref<128xi32, #tpu.memory_space<vmem>>) semaphore(%arg18 : memref<!tpu.dma_semaphore, #tpu.memory_space<semaphore_mem>>) {add = true}
      } else {
      }
    }
    %scan3A_19 = arith.constant 79 : i32
    %eq3A = arith.constant 0 : i32
    %eq3A_20 = arith.cmpi eq, %arg0, %eq3A : i32
    %convert_element_type3A = arith.extui %eq3A_20 : i1 to i32
    %cond3A = arith.constant 0 : i32
    %cond3A_21 = arith.cmpi ne, %convert_element_type3A, %cond3A : i32
    scf.if %cond3A_21 {
      %dma_wait3A = arith.constant 156 : i32
      %dma_wait3A_28 = arith.constant 0 : i32
      %dma_wait3A_29 = tpu.memref_slice %arg11[%dma_wait3A, %dma_wait3A_28] : memref<158x128xi32, #tpu.memory_space<vmem>> -> memref<1x128xi32, #tpu.memory_space<vmem>>
      %dma_wait3A_30 = tpu.memref_squeeze %dma_wait3A_29 : memref<1x128xi32, #tpu.memory_space<vmem>> -> memref<128xi32, #tpu.memory_space<vmem>>
      %dma_wait3A_31 = arith.constant 0 : i32
      %dma_wait3A_32 = arith.constant 0 : i32
      %dma_wait3A_33 = tpu.memref_slice %arg15[%dma_wait3A_31, %dma_wait3A_32] : memref<10240x16xf32, #tpu.memory_space<vmem_shared>> -> memref<10240x16xf32, #tpu.memory_space<vmem_shared>>
      tpu.wait_indirect_dma semaphore(%arg18 : memref<!tpu.dma_semaphore, #tpu.memory_space<semaphore_mem>>) src(%arg13 : memref<128x16xf32, #tpu.memory_space<vmem>>) dst(%dma_wait3A_33 : memref<10240x16xf32, #tpu.memory_space<vmem_shared>>)
    } else {
    }
    %eq3A_22 = arith.constant 1 : i32
    %eq3A_23 = arith.cmpi eq, %arg0, %eq3A_22 : i32
    %convert_element_type3A_24 = arith.extui %eq3A_23 : i1 to i32
    %cond3A_25 = arith.constant 0 : i32
    %cond3A_26 = arith.cmpi ne, %convert_element_type3A_24, %cond3A_25 : i32
    scf.if %cond3A_26 {
      %dma_wait3A = arith.constant 157 : i32
      %dma_wait3A_28 = arith.constant 0 : i32
      %dma_wait3A_29 = tpu.memref_slice %arg11[%dma_wait3A, %dma_wait3A_28] : memref<158x128xi32, #tpu.memory_space<vmem>> -> memref<1x128xi32, #tpu.memory_space<vmem>>
      %dma_wait3A_30 = tpu.memref_squeeze %dma_wait3A_29 : memref<1x128xi32, #tpu.memory_space<vmem>> -> memref<128xi32, #tpu.memory_space<vmem>>
      %dma_wait3A_31 = arith.constant 0 : i32
      %dma_wait3A_32 = arith.constant 0 : i32
      %dma_wait3A_33 = tpu.memref_slice %arg15[%dma_wait3A_31, %dma_wait3A_32] : memref<10240x16xf32, #tpu.memory_space<vmem_shared>> -> memref<10240x16xf32, #tpu.memory_space<vmem_shared>>
      tpu.wait_indirect_dma semaphore(%arg18 : memref<!tpu.dma_semaphore, #tpu.memory_space<semaphore_mem>>) src(%arg13 : memref<128x16xf32, #tpu.memory_space<vmem>>) dst(%dma_wait3A_33 : memref<10240x16xf32, #tpu.memory_space<vmem_shared>>)
    } else {
    }
    %barrier3A_27 = arith.constant 0 : index
    tpu.barrier barrier_id(%barrier3A_27)
    "tpu.region"() ({
      %run_scoped3A = tpu.sem_alloc : memref<!tpu.dma_semaphore, #tpu.memory_space<semaphore_mem>>
      %dma_start3A_28 = arith.constant 0 : i32
      %dma_start3A_29 = tpu.memref_slice %arg8[%arg0, %mul3A_0, %dma_start3A_28] : memref<2x10240x64xf32, #tpu.memory_space<hbm>> -> memref<1x640x64xf32, #tpu.memory_space<hbm>>
      %dma_start3A_30 = tpu.memref_squeeze %dma_start3A_29 : memref<1x640x64xf32, #tpu.memory_space<hbm>> -> memref<640x64xf32, #tpu.memory_space<hbm>>
      %dma_start3A_31 = arith.constant 0 : i32
      %dma_start3A_32 = tpu.memref_slice %arg14[%mul3A_0, %dma_start3A_31] : memref<10240x64xf32, #tpu.memory_space<vmem_shared>> -> memref<640x64xf32, #tpu.memory_space<vmem_shared>>
      tpu.enqueue_dma source(%dma_start3A_32 : memref<640x64xf32, #tpu.memory_space<vmem_shared>>) target(%dma_start3A_30 : memref<640x64xf32, #tpu.memory_space<hbm>>) target_semaphore(%run_scoped3A : memref<!tpu.dma_semaphore, #tpu.memory_space<semaphore_mem>>)
      %dma_wait3A = arith.constant 0 : i32
      %dma_wait3A_33 = tpu.memref_slice %arg8[%arg0, %mul3A_0, %dma_wait3A] : memref<2x10240x64xf32, #tpu.memory_space<hbm>> -> memref<1x640x64xf32, #tpu.memory_space<hbm>>
      %dma_wait3A_34 = tpu.memref_squeeze %dma_wait3A_33 : memref<1x640x64xf32, #tpu.memory_space<hbm>> -> memref<640x64xf32, #tpu.memory_space<hbm>>
      %dma_wait3A_35 = arith.constant 0 : i32
      %dma_wait3A_36 = tpu.memref_slice %arg14[%mul3A_0, %dma_wait3A_35] : memref<10240x64xf32, #tpu.memory_space<vmem_shared>> -> memref<640x64xf32, #tpu.memory_space<vmem_shared>>
      tpu.wait_dma2 semaphore(%run_scoped3A : memref<!tpu.dma_semaphore, #tpu.memory_space<semaphore_mem>>) src(%dma_wait3A_36 : memref<640x64xf32, #tpu.memory_space<vmem_shared>>) dst(%dma_wait3A_34 : memref<640x64xf32, #tpu.memory_space<hbm>>)
      tpu.yield
    }) : () -> ()
    "tpu.region"() ({
      %run_scoped3A = tpu.sem_alloc : memref<!tpu.dma_semaphore, #tpu.memory_space<semaphore_mem>>
      %dma_start3A_28 = arith.constant 0 : i32
      %dma_start3A_29 = tpu.memref_slice %arg9[%arg0, %mul3A_0, %dma_start3A_28] : memref<2x10240x16xf32, #tpu.memory_space<hbm>> -> memref<1x640x16xf32, #tpu.memory_space<hbm>>
      %dma_start3A_30 = tpu.memref_squeeze %dma_start3A_29 : memref<1x640x16xf32, #tpu.memory_space<hbm>> -> memref<640x16xf32, #tpu.memory_space<hbm>>
      %dma_start3A_31 = arith.constant 0 : i32
      %dma_start3A_32 = tpu.memref_slice %arg15[%mul3A_0, %dma_start3A_31] : memref<10240x16xf32, #tpu.memory_space<vmem_shared>> -> memref<640x16xf32, #tpu.memory_space<vmem_shared>>
      tpu.enqueue_dma source(%dma_start3A_32 : memref<640x16xf32, #tpu.memory_space<vmem_shared>>) target(%dma_start3A_30 : memref<640x16xf32, #tpu.memory_space<hbm>>) target_semaphore(%run_scoped3A : memref<!tpu.dma_semaphore, #tpu.memory_space<semaphore_mem>>)
      %dma_wait3A = arith.constant 0 : i32
      %dma_wait3A_33 = tpu.memref_slice %arg9[%arg0, %mul3A_0, %dma_wait3A] : memref<2x10240x16xf32, #tpu.memory_space<hbm>> -> memref<1x640x16xf32, #tpu.memory_space<hbm>>
      %dma_wait3A_34 = tpu.memref_squeeze %dma_wait3A_33 : memref<1x640x16xf32, #tpu.memory_space<hbm>> -> memref<640x16xf32, #tpu.memory_space<hbm>>
      %dma_wait3A_35 = arith.constant 0 : i32
      %dma_wait3A_36 = tpu.memref_slice %arg15[%mul3A_0, %dma_wait3A_35] : memref<10240x16xf32, #tpu.memory_space<vmem_shared>> -> memref<640x16xf32, #tpu.memory_space<vmem_shared>>
      tpu.wait_dma2 semaphore(%run_scoped3A : memref<!tpu.dma_semaphore, #tpu.memory_space<semaphore_mem>>) src(%dma_wait3A_36 : memref<640x16xf32, #tpu.memory_space<vmem_shared>>) dst(%dma_wait3A_34 : memref<640x16xf32, #tpu.memory_space<hbm>>)
      tpu.yield
    }) : () -> ()
    return
  }
}

module attributes {stable_mosaic.version = 14 : i64} {
  func.func @_tc_local_body(%arg0: i32, %arg1: memref<1024x128xf32, #tpu.memory_space<vmem>>, %arg2: memref<128x512xbf16, #tpu.memory_space<vmem>>, %arg3: memref<1x512xf32, #tpu.memory_space<vmem>>, %arg4: memref<512x128xbf16, #tpu.memory_space<vmem>>, %arg5: memref<1x128xf32, #tpu.memory_space<vmem>>, %arg6: memref<128x512xbf16, #tpu.memory_space<vmem>>, %arg7: memref<1x512xf32, #tpu.memory_space<vmem>>, %arg8: memref<1024x128xf32, #tpu.memory_space<vmem>>, %arg9: memref<1024x512xf32, #tpu.memory_space<vmem>>) attributes {dimension_semantics = [#tpu.dimension_semantics<arbitrary>], iteration_bounds = array<i64: 10>, scalar_prefetch = 0 : i64, scratch_operands = 0 : i64, tpu.core_type = #tpu.core_type<tc>, window_params = [{transform_indices = @transform_0, window_bounds = array<i64: 1024, 128>}, {pipeline_mode = #tpu.pipeline_mode<synchronous>, transform_indices = @transform_1, window_bounds = array<i64: 128, 512>}, {pipeline_mode = #tpu.pipeline_mode<synchronous>, transform_indices = @transform_2, window_bounds = array<i64: 1, 512>}, {pipeline_mode = #tpu.pipeline_mode<synchronous>, transform_indices = @transform_3, window_bounds = array<i64: 512, 128>}, {pipeline_mode = #tpu.pipeline_mode<synchronous>, transform_indices = @transform_4, window_bounds = array<i64: 1, 128>}, {pipeline_mode = #tpu.pipeline_mode<synchronous>, transform_indices = @transform_5, window_bounds = array<i64: 128, 512>}, {pipeline_mode = #tpu.pipeline_mode<synchronous>, transform_indices = @transform_6, window_bounds = array<i64: 1, 512>}, {transform_indices = @transform_7, window_bounds = array<i64: 1024, 128>}, {transform_indices = @transform_8, window_bounds = array<i64: 1024, 512>}]} {
    %get3A = arith.constant 0 : index
    %get3A_0 = arith.constant 0 : index
    %get3A_1 = vector.load %arg1[%get3A, %get3A_0] : memref<1024x128xf32, #tpu.memory_space<vmem>>, vector<1024x128xf32>
    %convert_element_type3A = arith.truncf %get3A_1 : vector<1024x128xf32> to vector<1024x128xbf16>
    %get3A_2 = arith.constant 0 : index
    %get3A_3 = arith.constant 0 : index
    %get3A_4 = vector.load %arg2[%get3A_2, %get3A_3] : memref<128x512xbf16, #tpu.memory_space<vmem>>, vector<128x512xbf16>
    %dot_general3A = arith.constant dense<0.000000e+00> : vector<1024x512xf32>
    %dot_general3A_5 = tpu.matmul %convert_element_type3A, %get3A_4, %dot_general3A {dimension_numbers = #tpu.dot_dimension_numbers<[1], [0], [0], [1], [0, 0, 1, 1], [], []>, transpose_lhs_hint = false} : vector<1024x128xbf16>, vector<128x512xbf16>, vector<1024x512xf32> -> vector<1024x512xf32>
    %get3A_6 = arith.constant 0 : index
    %get3A_7 = arith.constant 0 : index
    %get3A_8 = vector.load %arg3[%get3A_6, %get3A_7] : memref<1x512xf32, #tpu.memory_space<vmem>>, vector<1x512xf32>
    %add3A = vector.broadcast %get3A_8 : vector<1x512xf32> to vector<1024x512xf32>
    %add3A_9 = arith.addf %dot_general3A_5, %add3A : vector<1024x512xf32>
    %max3A = arith.constant 0.000000e+00 : f32
    %max3A_10 = vector.broadcast %max3A : f32 to vector<1024x512xf32>
    %max3A_11 = arith.maximumf %add3A_9, %max3A_10 : vector<1024x512xf32>
    %convert_element_type3A_12 = arith.truncf %max3A_11 : vector<1024x512xf32> to vector<1024x512xbf16>
    %get3A_13 = arith.constant 0 : index
    %get3A_14 = arith.constant 0 : index
    %get3A_15 = vector.load %arg4[%get3A_13, %get3A_14] : memref<512x128xbf16, #tpu.memory_space<vmem>>, vector<512x128xbf16>
    %dot_general3A_16 = arith.constant dense<0.000000e+00> : vector<1024x128xf32>
    %dot_general3A_17 = tpu.matmul %convert_element_type3A_12, %get3A_15, %dot_general3A_16 {dimension_numbers = #tpu.dot_dimension_numbers<[1], [0], [0], [1], [0, 0, 1, 1], [], []>, transpose_lhs_hint = false} : vector<1024x512xbf16>, vector<512x128xbf16>, vector<1024x128xf32> -> vector<1024x128xf32>
    %get3A_18 = arith.constant 0 : index
    %get3A_19 = arith.constant 0 : index
    %get3A_20 = vector.load %arg5[%get3A_18, %get3A_19] : memref<1x128xf32, #tpu.memory_space<vmem>>, vector<1x128xf32>
    %add3A_21 = vector.broadcast %get3A_20 : vector<1x128xf32> to vector<1024x128xf32>
    %add3A_22 = arith.addf %dot_general3A_17, %add3A_21 : vector<1024x128xf32>
    %swap3A = arith.constant 0 : index
    %swap3A_23 = arith.constant 0 : index
    %swap3A_24 = vector.load %arg8[%swap3A, %swap3A_23] : memref<1024x128xf32, #tpu.memory_space<vmem>>, vector<1024x128xf32>
    tpu.vector_store %arg8[%swap3A, %swap3A_23], %add3A_22 {strides = array<i32>} : memref<1024x128xf32, #tpu.memory_space<vmem>>, vector<1024x128xf32>,
    %get3A_25 = arith.constant 0 : index
    %get3A_26 = arith.constant 0 : index
    %get3A_27 = vector.load %arg6[%get3A_25, %get3A_26] : memref<128x512xbf16, #tpu.memory_space<vmem>>, vector<128x512xbf16>
    %dot_general3A_28 = arith.constant dense<0.000000e+00> : vector<1024x512xf32>
    %dot_general3A_29 = tpu.matmul %convert_element_type3A, %get3A_27, %dot_general3A_28 {dimension_numbers = #tpu.dot_dimension_numbers<[1], [0], [0], [1], [0, 0, 1, 1], [], []>, transpose_lhs_hint = false} : vector<1024x128xbf16>, vector<128x512xbf16>, vector<1024x512xf32> -> vector<1024x512xf32>
    %get3A_30 = arith.constant 0 : index
    %get3A_31 = arith.constant 0 : index
    %get3A_32 = vector.load %arg7[%get3A_30, %get3A_31] : memref<1x512xf32, #tpu.memory_space<vmem>>, vector<1x512xf32>
    %add3A_33 = vector.broadcast %get3A_32 : vector<1x512xf32> to vector<1024x512xf32>
    %add3A_34 = arith.addf %dot_general3A_29, %add3A_33 : vector<1024x512xf32>
    %swap3A_35 = arith.constant 0 : index
    %swap3A_36 = arith.constant 0 : index
    %swap3A_37 = vector.load %arg9[%swap3A_35, %swap3A_36] : memref<1024x512xf32, #tpu.memory_space<vmem>>, vector<1024x512xf32>
    tpu.vector_store %arg9[%swap3A_35, %swap3A_36], %add3A_34 {strides = array<i32>} : memref<1024x512xf32, #tpu.memory_space<vmem>>, vector<1024x512xf32>,
    return
  }
  func.func @transform_0(%arg0: i32) -> (i32, i32) {
    %c0_i32 = arith.constant 0 : i32
    %c0_i32_0 = arith.constant 0 : i32
    return %arg0, %c0_i32 : i32, i32
  }
  func.func @transform_1(%arg0: i32) -> (i32, i32) {
    %c0_i32 = arith.constant 0 : i32
    %c0_i32_0 = arith.constant 0 : i32
    %c0_i32_1 = arith.constant 0 : i32
    return %c0_i32, %c0_i32_0 : i32, i32
  }
  func.func @transform_2(%arg0: i32) -> (i32, i32) {
    %c0_i32 = arith.constant 0 : i32
    %c0_i32_0 = arith.constant 0 : i32
    %c0_i32_1 = arith.constant 0 : i32
    return %c0_i32, %c0_i32_0 : i32, i32
  }
  func.func @transform_3(%arg0: i32) -> (i32, i32) {
    %c0_i32 = arith.constant 0 : i32
    %c0_i32_0 = arith.constant 0 : i32
    %c0_i32_1 = arith.constant 0 : i32
    return %c0_i32, %c0_i32_0 : i32, i32
  }
  func.func @transform_4(%arg0: i32) -> (i32, i32) {
    %c0_i32 = arith.constant 0 : i32
    %c0_i32_0 = arith.constant 0 : i32
    %c0_i32_1 = arith.constant 0 : i32
    return %c0_i32, %c0_i32_0 : i32, i32
  }
  func.func @transform_5(%arg0: i32) -> (i32, i32) {
    %c0_i32 = arith.constant 0 : i32
    %c0_i32_0 = arith.constant 0 : i32
    %c0_i32_1 = arith.constant 0 : i32
    return %c0_i32, %c0_i32_0 : i32, i32
  }
  func.func @transform_6(%arg0: i32) -> (i32, i32) {
    %c0_i32 = arith.constant 0 : i32
    %c0_i32_0 = arith.constant 0 : i32
    %c0_i32_1 = arith.constant 0 : i32
    return %c0_i32, %c0_i32_0 : i32, i32
  }
  func.func @transform_7(%arg0: i32) -> (i32, i32) {
    %c0_i32 = arith.constant 0 : i32
    %c0_i32_0 = arith.constant 0 : i32
    return %arg0, %c0_i32 : i32, i32
  }
  func.func @transform_8(%arg0: i32) -> (i32, i32) {
    %c0_i32 = arith.constant 0 : i32
    %c0_i32_0 = arith.constant 0 : i32
    return %arg0, %c0_i32 : i32, i32
  }
}

module attributes {stable_mosaic.version = 14 : i64} {
  func.func @_tc_global_body(%arg0: i32, %arg1: memref<1024x512xf32, #tpu.memory_space<vmem>>, %arg2: memref<2x1024x64xf32, #tpu.memory_space<vmem>>, %arg3: memref<2x1024x16xf32, #tpu.memory_space<vmem>>, %arg4: memref<64x512xbf16, #tpu.memory_space<vmem>>, %arg5: memref<64x512xbf16, #tpu.memory_space<vmem>>, %arg6: memref<512x128xbf16, #tpu.memory_space<vmem>>, %arg7: memref<1x128xf32, #tpu.memory_space<vmem>>, %arg8: memref<1024x128xf32, #tpu.memory_space<vmem>>) attributes {dimension_semantics = [#tpu.dimension_semantics<arbitrary>], iteration_bounds = array<i64: 10>, scalar_prefetch = 0 : i64, scratch_operands = 0 : i64, tpu.core_type = #tpu.core_type<tc>, window_params = [{transform_indices = @transform_0, window_bounds = array<i64: 1024, 512>}, {transform_indices = @transform_1, window_bounds = array<i64: 2, 1024, 64>}, {transform_indices = @transform_2, window_bounds = array<i64: 2, 1024, 16>}, {pipeline_mode = #tpu.pipeline_mode<synchronous>, transform_indices = @transform_3, window_bounds = array<i64: 64, 512>}, {pipeline_mode = #tpu.pipeline_mode<synchronous>, transform_indices = @transform_4, window_bounds = array<i64: 64, 512>}, {pipeline_mode = #tpu.pipeline_mode<synchronous>, transform_indices = @transform_5, window_bounds = array<i64: 512, 128>}, {pipeline_mode = #tpu.pipeline_mode<synchronous>, transform_indices = @transform_6, window_bounds = array<i64: 1, 128>}, {transform_indices = @transform_7, window_bounds = array<i64: 1024, 128>}]} {
    %get3A = arith.constant 0 : index
    %get3A_0 = arith.constant 0 : index
    %get3A_1 = arith.constant 0 : index
    %get3A_2 = vector.load %arg2[%get3A, %get3A_0, %get3A_1] : memref<2x1024x64xf32, #tpu.memory_space<vmem>>, vector<2x1024x64xf32>
    %get3A_3 = arith.constant 0 : index
    %get3A_4 = arith.constant 0 : index
    %get3A_5 = arith.constant 0 : index
    %get3A_6 = vector.load %arg3[%get3A_3, %get3A_4, %get3A_5] : memref<2x1024x16xf32, #tpu.memory_space<vmem>>, vector<2x1024x16xf32>
    %slice3A = vector.extract_strided_slice %get3A_6 {offsets = [0, 0, 0], sizes = [1, 1024, 1], strides = [1, 1, 1]} : vector<2x1024x16xf32> to vector<1x1024x1xf32>
    %squeeze3A = vector.shape_cast %slice3A : vector<1x1024x1xf32> to vector<1024x1xf32>
    %slice3A_7 = vector.extract_strided_slice %get3A_6 {offsets = [1, 0, 0], sizes = [1, 1024, 1], strides = [1, 1, 1]} : vector<2x1024x16xf32> to vector<1x1024x1xf32>
    %squeeze3A_8 = vector.shape_cast %slice3A_7 : vector<1x1024x1xf32> to vector<1024x1xf32>
    %add3A = arith.addf %squeeze3A, %squeeze3A_8 : vector<1024x1xf32>
    %max3A = arith.constant 1.000000e+00 : f32
    %max3A_9 = vector.broadcast %max3A : f32 to vector<1024x1xf32>
    %max3A_10 = arith.maximumf %add3A, %max3A_9 : vector<1024x1xf32>
    %div3A = arith.constant 1.000000e+00 : f32
    %div3A_11 = vector.broadcast %div3A : f32 to vector<1024x1xf32>
    %div3A_12 = arith.divf %div3A_11, %max3A_10 : vector<1024x1xf32>
    %get3A_13 = arith.constant 0 : index
    %get3A_14 = arith.constant 0 : index
    %get3A_15 = vector.load %arg1[%get3A_13, %get3A_14] : memref<1024x512xf32, #tpu.memory_space<vmem>>, vector<1024x512xf32>
    %slice3A_16 = vector.extract_strided_slice %get3A_2 {offsets = [0, 0, 0], sizes = [1, 1024, 64], strides = [1, 1, 1]} : vector<2x1024x64xf32> to vector<1x1024x64xf32>
    %squeeze3A_17 = vector.shape_cast %slice3A_16 : vector<1x1024x64xf32> to vector<1024x64xf32>
    %mul3A = vector.broadcast %div3A_12 : vector<1024x1xf32> to vector<1024x64xf32>
    %mul3A_18 = arith.mulf %squeeze3A_17, %mul3A : vector<1024x64xf32>
    %convert_element_type3A = arith.truncf %mul3A_18 : vector<1024x64xf32> to vector<1024x64xbf16>
    %get3A_19 = arith.constant 0 : index
    %get3A_20 = arith.constant 0 : index
    %get3A_21 = vector.load %arg4[%get3A_19, %get3A_20] : memref<64x512xbf16, #tpu.memory_space<vmem>>, vector<64x512xbf16>
    %dot_general3A = arith.constant dense<0.000000e+00> : vector<1024x512xf32>
    %dot_general3A_22 = tpu.matmul %convert_element_type3A, %get3A_21, %dot_general3A {dimension_numbers = #tpu.dot_dimension_numbers<[1], [0], [0], [1], [0, 0, 1, 1], [], []>, transpose_lhs_hint = false} : vector<1024x64xbf16>, vector<64x512xbf16>, vector<1024x512xf32> -> vector<1024x512xf32>
    %add3A_23 = arith.addf %get3A_15, %dot_general3A_22 : vector<1024x512xf32>
    %slice3A_24 = vector.extract_strided_slice %get3A_2 {offsets = [1, 0, 0], sizes = [1, 1024, 64], strides = [1, 1, 1]} : vector<2x1024x64xf32> to vector<1x1024x64xf32>
    %squeeze3A_25 = vector.shape_cast %slice3A_24 : vector<1x1024x64xf32> to vector<1024x64xf32>
    %mul3A_26 = vector.broadcast %div3A_12 : vector<1024x1xf32> to vector<1024x64xf32>
    %mul3A_27 = arith.mulf %squeeze3A_25, %mul3A_26 : vector<1024x64xf32>
    %convert_element_type3A_28 = arith.truncf %mul3A_27 : vector<1024x64xf32> to vector<1024x64xbf16>
    %get3A_29 = arith.constant 0 : index
    %get3A_30 = arith.constant 0 : index
    %get3A_31 = vector.load %arg5[%get3A_29, %get3A_30] : memref<64x512xbf16, #tpu.memory_space<vmem>>, vector<64x512xbf16>
    %dot_general3A_32 = arith.constant dense<0.000000e+00> : vector<1024x512xf32>
    %dot_general3A_33 = tpu.matmul %convert_element_type3A_28, %get3A_31, %dot_general3A_32 {dimension_numbers = #tpu.dot_dimension_numbers<[1], [0], [0], [1], [0, 0, 1, 1], [], []>, transpose_lhs_hint = false} : vector<1024x64xbf16>, vector<64x512xbf16>, vector<1024x512xf32> -> vector<1024x512xf32>
    %add3A_34 = arith.addf %add3A_23, %dot_general3A_33 : vector<1024x512xf32>
    %max3A_35 = arith.constant 0.000000e+00 : f32
    %max3A_36 = vector.broadcast %max3A_35 : f32 to vector<1024x512xf32>
    %max3A_37 = arith.maximumf %add3A_34, %max3A_36 : vector<1024x512xf32>
    %convert_element_type3A_38 = arith.truncf %max3A_37 : vector<1024x512xf32> to vector<1024x512xbf16>
    %get3A_39 = arith.constant 0 : index
    %get3A_40 = arith.constant 0 : index
    %get3A_41 = vector.load %arg6[%get3A_39, %get3A_40] : memref<512x128xbf16, #tpu.memory_space<vmem>>, vector<512x128xbf16>
    %dot_general3A_42 = arith.constant dense<0.000000e+00> : vector<1024x128xf32>
    %dot_general3A_43 = tpu.matmul %convert_element_type3A_38, %get3A_41, %dot_general3A_42 {dimension_numbers = #tpu.dot_dimension_numbers<[1], [0], [0], [1], [0, 0, 1, 1], [], []>, transpose_lhs_hint = false} : vector<1024x512xbf16>, vector<512x128xbf16>, vector<1024x128xf32> -> vector<1024x128xf32>
    %get3A_44 = arith.constant 0 : index
    %get3A_45 = arith.constant 0 : index
    %get3A_46 = vector.load %arg7[%get3A_44, %get3A_45] : memref<1x128xf32, #tpu.memory_space<vmem>>, vector<1x128xf32>
    %add3A_47 = vector.broadcast %get3A_46 : vector<1x128xf32> to vector<1024x128xf32>
    %add3A_48 = arith.addf %dot_general3A_43, %add3A_47 : vector<1024x128xf32>
    %swap3A = arith.constant 0 : index
    %swap3A_49 = arith.constant 0 : index
    %swap3A_50 = vector.load %arg8[%swap3A, %swap3A_49] : memref<1024x128xf32, #tpu.memory_space<vmem>>, vector<1024x128xf32>
    tpu.vector_store %arg8[%swap3A, %swap3A_49], %add3A_48 {strides = array<i32>} : memref<1024x128xf32, #tpu.memory_space<vmem>>, vector<1024x128xf32>,
    return
  }
  func.func @transform_0(%arg0: i32) -> (i32, i32) {
    %c0_i32 = arith.constant 0 : i32
    %c0_i32_0 = arith.constant 0 : i32
    return %arg0, %c0_i32 : i32, i32
  }
  func.func @transform_1(%arg0: i32) -> (i32, i32, i32) {
    %c0_i32 = arith.constant 0 : i32
    %c0_i32_0 = arith.constant 0 : i32
    %c0_i32_1 = arith.constant 0 : i32
    return %c0_i32, %arg0, %c0_i32_0 : i32, i32, i32
  }
  func.func @transform_2(%arg0: i32) -> (i32, i32, i32) {
    %c0_i32 = arith.constant 0 : i32
    %c0_i32_0 = arith.constant 0 : i32
    %c0_i32_1 = arith.constant 0 : i32
    return %c0_i32, %arg0, %c0_i32_0 : i32, i32, i32
  }
  func.func @transform_3(%arg0: i32) -> (i32, i32) {
    %c0_i32 = arith.constant 0 : i32
    %c0_i32_0 = arith.constant 0 : i32
    %c0_i32_1 = arith.constant 0 : i32
    return %c0_i32, %c0_i32_0 : i32, i32
  }
  func.func @transform_4(%arg0: i32) -> (i32, i32) {
    %c0_i32 = arith.constant 0 : i32
    %c0_i32_0 = arith.constant 0 : i32
    %c0_i32_1 = arith.constant 0 : i32
    return %c0_i32, %c0_i32_0 : i32, i32
  }
  func.func @transform_5(%arg0: i32) -> (i32, i32) {
    %c0_i32 = arith.constant 0 : i32
    %c0_i32_0 = arith.constant 0 : i32
    %c0_i32_1 = arith.constant 0 : i32
    return %c0_i32, %c0_i32_0 : i32, i32
  }
  func.func @transform_6(%arg0: i32) -> (i32, i32) {
    %c0_i32 = arith.constant 0 : i32
    %c0_i32_0 = arith.constant 0 : i32
    %c0_i32_1 = arith.constant 0 : i32
    return %c0_i32, %c0_i32_0 : i32, i32
  }
  func.func @transform_7(%arg0: i32) -> (i32, i32) {
    %c0_i32 = arith.constant 0 : i32
    %c0_i32_0 = arith.constant 0 : i32
    return %arg0, %c0_i32 : i32, i32
  }
}

</mosaic_0001>

<sc_bundles>
// kernel: kernel.5.cloned.1.call-start
scs
__scs_entry_jumppad:
0x0: {  	(pc) =	sbr.rel $0x88, $3  }
0x1: {  	(tag) =	ssettag $0x0;
	lr =	simm.s32 $0x1  }
0x2: {  	[smem:$0x3F97] =	sst lr;
	_ =	strace $0xD0000000  }
0x3: {  	_ = 	snop  }
0x4: {  	_ = 	snop  }
0x5: {  	_ = 	snop  }
0x6: {  	_ = 	snop  }
0x7: {  	_ = 	snop  }
__scs_overlays_trampoline_lowered:
0x8: {  	[smem:$0x3FA6] =	sst s0  }
0x9: {  	[smem:$0x3FA7] =	sst s1  }
0xa: {  	[smem:$0x3FA8] =	sst s2  }
0xb: {  	[smem:$0x3FA9] =	sst s3  }
0xc: {  	[smem:$0x3FAA] =	sst s4  }
0xd: {  	[smem:$0x3FAB] =	sst s5  }
0xe: {  	[smem:$0x3FAC] =	sst s6  }
0xf: {  	[smem:$0x3FAD] =	sst s7  }
0x10: {  	[smem:$0x3FAE] =	sst s8  }
0x11: {  	[smem:$0x3FAF] =	sst s9;
	s0 =	simm.s32 @!p0 $0x0  }
0x12: {  	s1 =	sld [smem:$0x3F95];
	s0 =	simm.s32 @p0 $0x1  }
0x13: {  	[smem:$0x3FB0] =	sst s0;
	s0 =	simm.s32 @!p1 $0x0  }
0x14: {  	s2 =	sld [smem:$0x3F94];
	s0 =	simm.s32 @p1 $0x1  }
0x15: {  	[smem:$0x3FB1] =	sst s0;
	s0 =	simm.s32 @!p2 $0x0  }
0x16: {  	s3 =	sld [smem:$0x3FDB];
	s0 =	simm.s32 @p2 $0x1  }
0x17: {  	s4 =	simm.s32 $0x1BF5;
	[smem:$0x3FB3] =	sst s0  }
0x18: {  	s0 =	sld [smem:$0x3F96];
	_ =	swait.ge [sflag:s4], $0x0  }
0x19: {  	s7 =	sld [smem:$0x3F97]  }
0x1a: {  	s8 =	sadd.s32 $0xFFFFE003, lr  }
0x1b: {  	s9 =	sadd.s32 $0xFFFFFEF7, lr;
	s5 =	simm.s32 $0xFFFFFFFF;
	p2 =	slt.u32 s8, $0xFFFFF086  }
0x1c: {  	p1 =	slt.u32 s9, $0xF7A;
	s5 =	simm.s32 @!p2 $0x0  }
0x1d: {  	s5 =	simm.s32 @p1 $0x1;
	p0 =	seq.s32 s7, s2  }
0x1e: {  	s7 =	smul.u32 @!p0 $0xF7A, s2;
	p2 =	seq.s32 @!p0 s5, $0x0  }
0x1f: {  	s9 =	smul.u32 $0xF7A, s1;
	s8 =	simm.s32 @!p0 $0x1BF5;
	p2 =	por !p2, p0  }
0x20: {  	[sflag:s8] =	ssyncset.s32 @!p0 $0xFFFFF086;
	s6 =	sadd.s32 @!p0 s3, s7;
	s7 =	simm.s32 @!p0 $0x108  }
0x21: {  	s3 =	sadd.s32 s3, s9;
	s6 =	sadd.s32 @!p0 $0x88, s6;
	s7 =	simm.s32 @p2 $0x1082  }
0x22: {  	[simem:s7], [sflag:s8] =	dma.local @!p0 [hbm:s6], $0xF7A  }
0x23: {  	s9 =	sor.u32 $0xD0000000, s2;
	s6 =	simm.s32 $0x108;
	_ =	swait.ge @!p0 [sflag:s8], $0x0  }
0x24: {  	s3 =	sadd.s32 $0x88, s3;
	s6 =	simm.s32 @!p1 $0x1082;
	[sflag:s4] =	ssyncset.s32 $0xFFFFF086  }
0x25: {  	[simem:s6], [sflag:s4] =	dma.local [hbm:s3], $0xF7A  }
0x26: {  	[smem:$0x3F97] =	sst s1;
	(tag) =	ssettag s2;
	_ =	strace s9  }
0x27: {  	s1 =	sld [smem:$0x3FA7]  }
0x28: {  	s2 =	sld [smem:$0x3FA8]  }
0x29: {  	s4 =	sld [smem:$0x3FAA]  }
0x2a: {  	p0 =	seq.s32 s5, $0x0;
	s5 =	sld [smem:$0x3FAB]  }
0x2b: {  	s6 =	sld [smem:$0x3FAC]  }
0x2c: {  	s7 =	sld [smem:$0x3FAD]  }
0x2d: {  	s3 =	simm.s32 $0x108;
	s8 =	sld [smem:$0x3FAE]  }
0x2e: {  	s3 =	simm.s32 @!p0 $0x1082;
	s9 =	sld [smem:$0x3FAF]  }
0x2f: {  	lr =	sadd.s32 s0, s3;
	s0 =	sld [smem:$0x3FA6]  }
0x30: {  	s3 =	sld [smem:$0x3FA9]  }
0x31: {  	[smem:$0x3FB2] =	sst s10  }
0x32: {  	s10 =	sld [smem:$0x3FB0];
	_ =	sdelay $0x3  }
0x33: {  	p0 =	seq.s32 s10, $0x1;
	s10 =	sld [smem:$0x3FB2];
	_ =	sdelay $0x3  }
0x34: {  	[smem:$0x3FB2] =	sst s10  }
0x35: {  	s10 =	sld [smem:$0x3FB1];
	_ =	sdelay $0x3  }
0x36: {  	p1 =	seq.s32 s10, $0x1;
	s10 =	sld [smem:$0x3FB2];
	_ =	sdelay $0x3  }
0x37: {  	[smem:$0x3FB2] =	sst s10  }
0x38: {  	s10 =	sld [smem:$0x3FB3]  }
0x39: {  	_ = 	snop;
	(pc) =	sbr.ind lr, $3  }
0x3a: {  	_ = 	snop  }
0x3b: {  	_ = 	snop  }
0x3c: {  	p2 =	seq.s32 s10, $0x1;
	s10 =	sld [smem:$0x3FB2]  }
0x3d: {  	_ =	shalt  }
0x3e: {  	_ =	shalt  }
0x3f: {  	_ =	shalt  }
0x40: {  	_ =	shalt  }
0x41: {  	_ =	shalt  }
0x42: {  	_ =	shalt  }
0x43: {  	_ =	shalt  }
0x44: {  	_ =	shalt  }
0x45: {  	_ =	shalt  }
0x46: {  	_ =	shalt  }
0x47: {  	_ =	shalt  }
0x48: {  	_ =	shalt  }
0x49: {  	_ =	shalt  }
0x4a: {  	_ =	shalt  }
0x4b: {  	_ =	shalt  }
0x4c: {  	_ =	shalt  }
0x4d: {  	_ =	shalt  }
0x4e: {  	_ =	shalt  }
0x4f: {  	_ =	shalt  }
0x50: {  	_ =	shalt  }
0x51: {  	_ =	shalt  }
0x52: {  	_ =	shalt  }
0x53: {  	_ =	shalt  }
0x54: {  	_ =	shalt  }
0x55: {  	_ =	shalt  }
0x56: {  	_ =	shalt  }
0x57: {  	_ =	shalt  }
0x58: {  	_ =	shalt  }
0x59: {  	_ =	shalt  }
0x5a: {  	_ =	shalt  }
0x5b: {  	_ =	shalt  }
0x5c: {  	_ =	shalt  }
0x5d: {  	_ =	shalt  }
0x5e: {  	_ =	shalt  }
0x5f: {  	_ =	shalt  }
0x60: {  	_ =	shalt  }
0x61: {  	_ =	shalt  }
0x62: {  	_ =	shalt  }
0x63: {  	_ =	shalt  }
0x64: {  	_ =	shalt  }
0x65: {  	_ =	shalt  }
0x66: {  	_ =	shalt  }
0x67: {  	_ =	shalt  }
0x68: {  	_ =	shalt  }
0x69: {  	_ =	shalt  }
0x6a: {  	_ =	shalt  }
0x6b: {  	_ =	shalt  }
0x6c: {  	_ =	shalt  }
0x6d: {  	_ =	shalt  }
0x6e: {  	_ =	shalt  }
0x6f: {  	_ =	shalt  }
0x70: {  	_ =	shalt  }
0x71: {  	_ =	shalt  }
0x72: {  	_ =	shalt  }
0x73: {  	_ =	shalt  }
0x74: {  	_ =	shalt  }
0x75: {  	_ =	shalt  }
0x76: {  	_ =	shalt  }
0x77: {  	_ =	shalt  }
0x78: {  	_ =	shalt  }
0x79: {  	_ =	shalt  }
0x7a: {  	_ =	shalt  }
0x7b: {  	_ =	shalt  }
0x7c: {  	_ =	shalt  }
0x7d: {  	_ =	shalt  }
0x7e: {  	_ =	shalt  }
0x7f: {  	_ =	shalt  }
0x80: {  	_ =	shalt  }
0x81: {  	_ =	shalt  }
0x82: {  	_ =	shalt  }
0x83: {  	_ =	shalt  }
0x84: {  	_ =	shalt  }
0x85: {  	_ =	shalt  }
0x86: {  	_ =	shalt  }
0x87: {  	_ =	shalt  }
.Lfunc_end0:
.L_simem_size_0:
called_computation_lowered:
.L_overlay_start_0:
0x88: {  	s2 =	sld [smem:$0x3FD9]  }
0x89: {  	s3 =	sld [smem:$0x3FFE];
	_ =	sdelay $0x1  }
0x8a: {  	s1 =	srdreg.scid  }
0x8b: {  	s0 =	sand.u32 $0x1, s1  }
0x8c: {  	s14 =	sshll.u32 s0, $0xA;
	s2 =	sadd.s32 s3, s2  }
0x8d: {  	s2 =	sadd.s32 s2, s14  }
0x8e: {  	[smem:$0x3FBE] =	sst s2  }
0x8f: {  	_ = 	snop  }
0x90: {  	s2 =	sld [smem:$0x3FD0];
	_ =	sdelay $0x2  }
0x91: {  	s15 =	simm.s32 $0xA;
	s4 =	simm.s32 $0x10  }
0x92: {  	[smem:s4], [sflag:s15] =	dma.local [hbm:s2], $0x1  }
0x93: {  	_ =	swait.eq [sflag:s15], $0x1  }
0x94: {  	[sflag:s15] =	ssyncset.done $0x0  }
0x95: {  	[sflag:s15] =	ssyncadd.s32 $0xFFFFFFFF  }
0x96: {  	s16 =	sld [smem:$0x10];
	(tm) =	ssettm $0x1  }
0x97: {  	s17 =	sld [smem:$0x3FFB];
	_ =	sdelay $0x3  }
0x98: {  	_ =	strace s17  }
0x99: {  	s3 =	sld [smem:$0x3FFC];
	_ =	sdelay $0x3  }
0x9a: {  	_ =	strace s3  }
0x9b: {  	s3 =	sld [smem:$0x3FFD];
	_ =	sdelay $0x3  }
0x9c: {  	_ =	strace s3  }
0x9d: {  	_ =	strace $0x8FFFFFFF  }
0x9e: {  	s18 =	sld [smem:$0x3FDB];
	_ =	sdelay $0x1  }
0x9f: {  	s19 =	simm.s32 $_scs_section_size  }
0xa0: {  	s5 =	simm.s32 $_size__tile_overlayer_lowered;
	s6 =	simm.s32 $_tile_overlayer_lowered  }
0xa1: {  	s22 =	simm.s32 $0x1BFF;
	s21 =	sshll.u32 s6, $0x1;
	s3 =	sadd.s32 s19, s18  }
0xa2: {  	s7 =	simm.s32 $0x0;
	s20 =	sshll.u32 s5, $0x1;
	s5 =	sadd.s32 s21, s3  }
0xa3: {  	[timem:s7], [sflag:s22] =	dma.local [hbm:s5], s20  }
0xa4: {  	_ =	swait.ge [sflag:s22], s20  }
0xa5: {  	s4 =	ssub.s32 $0x0, s20;
	[sflag:s22] =	ssyncset.done $0x0  }
0xa6: {  	[sflag:s22] =	ssyncadd.s32 s4;
	_ =	sdelay $0x1  }
0xa7: {  	s23 =	simm.s32 $0x1B8B  }
0xa8: {  	_ =	swait.ge [sflag:s23], $0x1  }
0xa9: {  	[sflag:s23] =	ssyncset.done $0x0  }
0xaa: {  	s25 =	simm.s32 $0x1B8E;
	s24 =	sld [smem:$0x3FFE];
	[sflag:s23] =	ssyncadd.s32 $0xFFFFFFFF  }
0xab: {  	s26 =	simm.s32 $execute0_lowered;
	[smem:$0x3FD2] =	sst s25  }
0xac: {  	s5 =	sshll.u32 s26, $0x1;
	_ =	strace $0x80000046;
	[dreg:$0x1] =	wrdreg $0xFFFFFFFF  }
0xad: {  	s28 =	simm.s32 $_size_execute0_lowered;
	s3 =	sadd.s32 s3, s5;
	[dreg:$0x0] =	wrdreg $0x0  }
0xae: {  	s5 =	sshll.u32 s28, $0x1;
	[dreg:$0x2] =	wrdreg s3  }
0xaf: {  	[dreg:$0x3] =	wrdreg s5  }
0xb0: {  	[dreg:$0x4] =	wrdreg $0xC0  }
0xb1: {  	_ =	task [dreg:s7], $0x5FFFF  }
0xb2: {  	[dreg:$0x1] =	wrdreg $0xFFFFFFFF  }
0xb3: {  	[dreg:$0x0] =	wrdreg $0x60  }
0xb4: {  	[dreg:$0x2] =	wrdreg s16  }
0xb5: {  	[dreg:$0x3] =	wrdreg s24  }
0xb6: {  	[dreg:$0x4] =	wrdreg $0xE6000  }
0xb7: {  	[dreg:$0x5] =	wrdreg $0x186000  }
0xb8: {  	[dreg:$0x6] =	wrdreg $0x9  }
0xb9: {  	_ =	task.clear_ibuf [dreg:s7], $0x7FFFF;
	_ =	strace $0x90000046  }
0xba: {  	s29 =	simm.s32 $0x9;
	_ =	strace $0x80000048  }
0xbb: {  	_ =	swait.ge [sflag:s29], $0x1  }
0xbc: {  	[sflag:s29] =	ssyncadd.s32 $0xFFFFFFFF  }
0xbd: {  	_ =	strace $0x90000048  }
0xbe: {  	_ =	sfence  }
0xbf: {  	s30 =	sld [smem:$0x0];
	_ =	sdelay $0x2  }
0xc0: {  	s31 =	sshll.u32 s1, $0xD;
	s1 =	sshrl.u32 s1, $0x2  }
0xc1: {  	s3 =	sand.u32 $0x4000, s31;
	s1 =	sadd.s32 s1, s30  }
0xc2: {  	s0 =	sor.u32 s3, s0;
	s1 =	sshll.u32 s1, $0x11  }
0xc3: {  	s0 =	sor.u32 s1, s0  }
0xc4: {  	s0 =	sadd.s32 $0x8F2B, s0  }
0xc5: {  	[sflag:s0] =	ssyncadd.remote.s32 $0x1  }
0xc6: {  	_ =	sfence.sel $0xFFFF  }
0xc7: {  	[dreg:$0x0] =	wrdreg $0xFFFFFFFF;
	(pc) =	sbr.abs _section_cstart, $3  }
0xc8: {  	[dreg:$0x1] =	wrdreg $0xFFFFFFFF  }
0xc9: {  	_ =	task.clear_ibuf [dreg:s7], $0x2FFFF;
	_ =	strace $0x9FFFFFFF  }
0xca: {  	(tm) =	ssettm $0x7FFFFFFF  }
0xcb: {  	_ =	shalt  }
tec
execute0_lowered:
.L_overlay_start_1:
0x0: {  	(tag) =	ssettag $0x1  }
0x1: {  	s0 =	rddreg [dreg:$0x0]  }
0x2: {  	s1 =	rddreg [dreg:$0x1]  }
0x3: {  	s2 =	rddreg [dreg:$0x2]  }
0x4: {  	s3 =	rddreg [dreg:$0x3];
	s16 =	stileid.u32  }
0x5: {  	s4 =	simm.s32 $0x0;
	s7 =	srdreg.scid;
	s20 =	simm.s32 $0x80  }
0x6: {  	s21 =	simm.s32 $0x9E00;
	s22 =	simm.s32 $0xBE00;
	s5 =	smul.u32 $0x9E0, s16  }
0x7: {  	s31 =	simm.s32 $0x3;
	s6 =	smul.u32 $0xA000, s16;
	[smem:$0x7FF] =	sst s4  }
0x8: {  	s9 =	smul.u32 $0x2800, s16;
	s14 =	sand.u32 $0x1, s7;
	s12 =	sadd.s32 $0x15600, s1  }
0x9: {  	s30 =	sshll.u32 s16, $0x6;
	_ =	strace $0x80000047;
	s7 =	smul.u32 $0xA0000, s14  }
0xa: {  	s11 =	smul.u32 $0x28000, s14;
	[dreg:$0x5] =	wrdreg s12;
	s23 =	ssub.s32 $0x2, s14  }
0xb: {  	s26 =	smul.u32 $0x13880, s14;
	p0 =	seq.s32 s14, $0x1;
	p1 =	sne.s32 s14, $0x0  }
0xc: {  	s14 =	simm.s32 $0x4;
	s17 =	sor.u32 $0x1C04, s30;
	s8 =	sshrl.u32 s6, $0x3  }
0xd: {  	s10 =	sshrl.u32 s9, $0x3;
	s5 =	sadd.s32 s5, s1;
	s24 =	sshrl.u32 s23, $0x1  }
0xe: {  	s28 =	sadd.s32 s6, s2;
	s29 =	sadd.s32 s9, s3;
	s8 =	sadd.s32 s8, s1  }
0xf: {  	s10 =	sadd.s32 s10, s1;
	s7 =	sadd.s32 s6, s7;
	s11 =	sadd.s32 s9, s11  }
0x10: {  	s15 =	ssub.s32 s23, s24;
	s25 =	sadd.s32 $0xB800, s5;
	s5 =	sadd.s32 $0x1A00, s5  }
0x11: {  	s18 =	sshrl.u32 s28, $0x3;
	s19 =	sshrl.u32 s29, $0x3;
	s23 =	simm.s32 $0x1  }
0x12: {  	s7 =	sshrl.u32 s7, $0x3;
	s11 =	sshrl.u32 s11, $0x3;
	[dreg:$0x6] =	wrdreg s25  }
0x13: {  	[dreg:$0x7] =	wrdreg s5;
	s8 =	sadd.s32 $0x1A800, s8;
	s9 =	sadd.s32 $0x15800, s10  }
0x14: {  	s10 =	sadd.s32 s0, s26;
	s25 =	simm.s32 $0x2;
	s13 =	sadd.s32 s7, s1  }
0x15: {  	s0 =	simm.s32 $0x0;
	s1 =	sadd.s32 s11, s1;
	s11 =	sadd.s32 $0x2E800, s13  }
0x16: {  	s12 =	sadd.s32 $0x56800, s1;
	s13 =	smax.u32 s15, $0x1;
	s15 =	simm.s32 $0x4F00  }
.LBB2_1:
0x17: {  	s1 =	rddreg [dreg:$0x6]  }
0x18: {  	[tilespmem:s4], [sflag:$0x4] =	stream.linear.gather [hbm4b:s1+s4], $0x4F00, $0x38;
	[tilespmem:$0x1AE00] =	vst v63  }
0x19: {  	_ =	swait.ge [sflag:s14], $0x4F00  }
0x1a: {  	[sflag:s14] =	ssyncset.done $0x0  }
0x1b: {  	s6 =	rddreg [dreg:$0x7];
	[sflag:s14] =	ssyncadd.s32 $0xFFFFB100  }
0x1c: {  	[tilespmem:s15], [sflag:$0x4] =	stream.linear.gather [hbm4b:s6+s4], $0x4F00, $0x38;
	[tilespmem:$0x1AE00] =	vst v63  }
0x1d: {  	_ =	swait.ge [sflag:s14], $0x4F00  }
0x1e: {  	[sflag:s14] =	ssyncset.done $0x0  }
0x1f: {  	s5 =	simm.s32 $0xDE00;
	s7 =	rddreg [dreg:$0x5];
	[sflag:s14] =	ssyncadd.s32 $0xFFFFB100  }
0x20: {  	[tilespmem:s5], [sflag:$0x4] =	stream.linear.gather [hbm4b:s7+s4], $0x800, $0x38;
	[tilespmem:$0x1AE00] =	vst v63  }
0x21: {  	_ =	swait.ge [sflag:s14], $0x800  }
0x22: {  	[sflag:s14] =	ssyncset.done $0x0  }
0x23: {  	[sflag:s14] =	ssyncadd.s32 $0xFFFFF800  }
0x24: {  	[spmem:s18], [sflag:s17] =	dma.local [hbm:s8], $0x1400  }
0x25: {  	_ =	swait.ge [sflag:s14], $0x1400  }
0x26: {  	[sflag:s14] =	ssyncset.done $0x0  }
0x27: {  	[sflag:s14] =	ssyncadd.s32 $0xFFFFEC00  }
0x28: {  	[spmem:s19], [sflag:s17] =	dma.local [hbm:s9], $0x500  }
0x29: {  	_ =	swait.ge [sflag:s14], $0x500  }
0x2a: {  	[sflag:s14] =	ssyncset.done $0x0  }
0x2b: {  	[sflag:s14] =	ssyncadd.s32 $0xFFFFFB00  }
0x2c: {  	[bflag:$0x0] =	sbarrier.arrive $0xFFFF  }
0x2d: {  	[tilespmem:s21], [sflag:$0x1] =	stream.indirect.gather [hbm4b:s10+s20], $0x40, s4, s20, $0xb8;
	[tilespmem:$0x1AE00] =	vst v63  }
0x2e: {  	_ = 	snop  }
0x2f: {  	[tilespmem:s22], [sflag:$0x2] =	stream.indirect.gather [hbm4b:s10+s20], $0x40, s20, s20, $0xb8;
	[tilespmem:$0x1AE00] =	vst v63  }
0x30: {  	_ =	swait.ge [sflag:s23], $0x2000  }
0x31: {  	[sflag:s23] =	ssyncset.done $0x0  }
0x32: {  	[sflag:s23] =	ssyncadd.s32 $0xFFFFE000  }
0x33: {  	[spmem:s2] =	stream.indirect.scatter.add.f32 [tilespmem:s21], [sflag:$0x4], $0x40, s15, s20, $0xb8;
	[tilespmem:$0x1AE00] =	vst v63  }
0x34: {  	_ =	swait.ge [sflag:s14], $0x2000  }
0x35: {  	s24 =	simm.s32 @!p1 $0x80;
	[sflag:s14] =	ssyncset.done $0x0  }
0x36: {  	s26 =	simm.s32 @!p1 $0xDE00;
	s1 =	simm.s32 @!p1 $0x4F00;
	[sflag:s14] =	ssyncadd.s32 $0xFFFFE000  }
0x37: {  	[spmem:s3] =	stream.indirect.scatter.add.f32 @!p1 [tilespmem:s26], [sflag:$0x3], $0x10, s1, s24, $0xb8;
	[tilespmem:$0x1AE00] =	vst v63  }
0x38: {  	s16 =	simm.s32 $0x100  }
0x39: {  	[tilespmem:s21], [sflag:$0x1] =	stream.indirect.gather [hbm4b:s10+s20], $0x40, s16, s20, $0xb8;
	[tilespmem:$0x1AE00] =	vst v63  }
0x3a: {  	_ =	swait.ge [sflag:s25], $0x2000  }
0x3b: {  	[sflag:s25] =	ssyncset.done $0x0  }
0x3c: {  	s5 =	simm.s32 $0x4F80;
	[sflag:s25] =	ssyncadd.s32 $0xFFFFE000  }
0x3d: {  	[spmem:s2] =	stream.indirect.scatter.add.f32 [tilespmem:s22], [sflag:$0x4], $0x40, s5, s20, $0xb8;
	[tilespmem:$0x1AE00] =	vst v63  }
0x3e: {  	_ =	swait.ge [sflag:s14], $0x2000  }
0x3f: {  	s1 =	simm.s32 @p0 $0x80;
	[sflag:s14] =	ssyncset.done $0x0  }
0x40: {  	s16 =	simm.s32 @p0 $0xDE00;
	s5 =	simm.s32 @p0 $0x4F80;
	[sflag:s14] =	ssyncadd.s32 $0xFFFFE000  }
0x41: {  	[spmem:s3] =	stream.indirect.scatter.add.f32 @p0 [tilespmem:s16], [sflag:$0x3], $0x10, s5, s1, $0xb8;
	[tilespmem:$0x1AE00] =	vst v63  }
0x42: {  	s6 =	simm.s32 $0x180  }
0x43: {  	[tilespmem:s22], [sflag:$0x2] =	stream.indirect.gather [hbm4b:s10+s20], $0x40, s6, s20, $0xb8;
	[tilespmem:$0x1AE00] =	vst v63  }
0x44: {  	_ =	swait.ge [sflag:s23], $0x2000  }
0x45: {  	[sflag:s23] =	ssyncset.done $0x0  }
0x46: {  	s5 =	simm.s32 $0x5000;
	[sflag:s23] =	ssyncadd.s32 $0xFFFFE000  }
0x47: {  	[spmem:s2] =	stream.indirect.scatter.add.f32 [tilespmem:s21], [sflag:$0x4], $0x40, s5, s20, $0xb8;
	[tilespmem:$0x1AE00] =	vst v63  }
0x48: {  	_ =	swait.ge [sflag:s14], $0x2000  }
0x49: {  	[sflag:s14] =	ssyncset.done $0x0  }
0x4a: {  	s29 =	simm.s32 @!p1 $0x3;
	[sflag:s14] =	ssyncadd.s32 $0xFFFFE000  }
0x4b: {  	_ =	swait.ge @!p1 [sflag:s29], $0x800  }
0x4c: {  	[sflag:s29] =	ssyncset.done @!p1 $0x0  }
0x4d: {  	[sflag:s29] =	ssyncadd.s32 @!p1 $0xFFFFF800  }
0x4e: {  	[spmem:s3] =	stream.indirect.scatter.add.f32 @!p1 [tilespmem:s26], [sflag:$0x3], $0x10, s5, s24, $0xb8;
	[tilespmem:$0x1AE00] =	vst v63  }
0x4f: {  	s7 =	simm.s32 $0x200  }
0x50: {  	[tilespmem:s21], [sflag:$0x1] =	stream.indirect.gather [hbm4b:s10+s20], $0x40, s7, s20, $0xb8;
	[tilespmem:$0x1AE00] =	vst v63  }
0x51: {  	_ =	swait.ge [sflag:s25], $0x2000  }
0x52: {  	[sflag:s25] =	ssyncset.done $0x0  }
0x53: {  	s6 =	simm.s32 $0x5080;
	[sflag:s25] =	ssyncadd.s32 $0xFFFFE000  }
0x54: {  	[spmem:s2] =	stream.indirect.scatter.add.f32 [tilespmem:s22], [sflag:$0x4], $0x40, s6, s20, $0xb8;
	[tilespmem:$0x1AE00] =	vst v63  }
0x55: {  	_ =	swait.ge [sflag:s14], $0x2000  }
0x56: {  	[sflag:s14] =	ssyncset.done $0x0  }
0x57: {  	s30 =	simm.s32 @p0 $0x3;
	[sflag:s14] =	ssyncadd.s32 $0xFFFFE000  }
0x58: {  	_ =	swait.ge @p0 [sflag:s30], $0x800  }
0x59: {  	[sflag:s30] =	ssyncset.done @p0 $0x0  }
0x5a: {  	s28 =	simm.s32 $0xFFFFB400;
	s5 =	simm.s32 $0xFFFED400;
	[sflag:s30] =	ssyncadd.s32 @p0 $0xFFFFF800  }
.LBB2_2:
0x5b: {  	[spmem:s3] =	stream.indirect.scatter.add.f32 @p0 [tilespmem:s16], [sflag:$0x3], $0x10, s6, s1, $0xb8;
	[tilespmem:$0x1AE00] =	vst v63  }
0x5c: {  	s7 =	sshra.s32 s5, $0x2;
	s5 =	sadd.s32 $0x400, s5;
	s6 =	sadd.s32 $0x4E80, s28  }
0x5d: {  	[tilespmem:s22], [sflag:$0x2] =	stream.indirect.gather [hbm4b:s10+s20], $0x40, s6, s20, $0xb8;
	[tilespmem:$0x1AE00] =	vst v63  }
0x5e: {  	p2 =	sne.s32 s5, $0x0;
	_ =	swait.ge [sflag:s23], $0x2000  }
0x5f: {  	[sflag:s23] =	ssyncset.done $0x0  }
0x60: {  	s6 =	sadd.s32 $0x9D00, s28;
	[sflag:s23] =	ssyncadd.s32 $0xFFFFE000  }
0x61: {  	[spmem:s2] =	stream.indirect.scatter.add.f32 [tilespmem:s21], [sflag:$0x4], $0x40, s6, s20, $0xb8;
	[tilespmem:$0x1AE00] =	vst v63  }
0x62: {  	_ =	swait.ge [sflag:s14], $0x2000  }
0x63: {  	[sflag:s14] =	ssyncset.done $0x0  }
0x64: {  	[sflag:s14] =	ssyncadd.s32 $0xFFFFE000  }
0x65: {  	_ =	swait.ge @!p1 [sflag:s29], $0x800  }
0x66: {  	[sflag:s29] =	ssyncset.done @!p1 $0x0  }
0x67: {  	[sflag:s29] =	ssyncadd.s32 @!p1 $0xFFFFF800  }
0x68: {  	[spmem:s3] =	stream.indirect.scatter.add.f32 @!p1 [tilespmem:s26], [sflag:$0x3], $0x10, s6, s24, $0xb8;
	[tilespmem:$0x1AE00] =	vst v63  }
0x69: {  	s6 =	sadd.s32 $0x4F00, s28  }
0x6a: {  	[tilespmem:s21], [sflag:$0x1] =	stream.indirect.gather [hbm4b:s10+s20], $0x40, s6, s20, $0xb8;
	[tilespmem:$0x1AE00] =	vst v63  }
0x6b: {  	_ =	swait.ge [sflag:s25], $0x2000  }
0x6c: {  	[sflag:s25] =	ssyncset.done $0x0  }
0x6d: {  	s6 =	sadd.s32 $0x9D80, s28;
	s28 =	smov.u32 s7;
	[sflag:s25] =	ssyncadd.s32 $0xFFFFE000  }
0x6e: {  	[spmem:s2] =	stream.indirect.scatter.add.f32 [tilespmem:s22], [sflag:$0x4], $0x40, s6, s20, $0xb8;
	[tilespmem:$0x1AE00] =	vst v63  }
0x6f: {  	_ =	swait.ge [sflag:s14], $0x2000  }
.Ltmp0:
0x70: {  	[sflag:s14] =	ssyncset.done $0x0;
	(pc) =	sbr.rel @p2 .LBB2_2-.Ltmp0, $4  }
0x71: {  	[sflag:s14] =	ssyncadd.s32 $0xFFFFE000  }
0x72: {  	_ =	swait.ge @p0 [sflag:s30], $0x800  }
0x73: {  	[sflag:s30] =	ssyncset.done @p0 $0x0  }
0x74: {  	[sflag:s30] =	ssyncadd.s32 @p0 $0xFFFFF800  }
0x75: {  	[spmem:s3] =	stream.indirect.scatter.add.f32 @p0 [tilespmem:s16], [sflag:$0x3], $0x10, s6, s1, $0xb8;
	[tilespmem:$0x1AE00] =	vst v63  }
0x76: {  	s5 =	sadd.s32 $0x4E80, s28  }
0x77: {  	[tilespmem:s22], [sflag:$0x2] =	stream.indirect.gather [hbm4b:s10+s20], $0x40, s5, s20, $0xb8;
	[tilespmem:$0x1AE00] =	vst v63  }
0x78: {  	_ =	swait.ge [sflag:s23], $0x2000  }
0x79: {  	[sflag:s23] =	ssyncset.done $0x0  }
0x7a: {  	s5 =	sadd.s32 $0x9D00, s28;
	[sflag:s23] =	ssyncadd.s32 $0xFFFFE000  }
0x7b: {  	[spmem:s2] =	stream.indirect.scatter.add.f32 [tilespmem:s21], [sflag:$0x4], $0x40, s5, s20, $0xb8;
	[tilespmem:$0x1AE00] =	vst v63  }
0x7c: {  	_ =	swait.ge [sflag:s14], $0x2000  }
0x7d: {  	[sflag:s14] =	ssyncset.done $0x0  }
0x7e: {  	s6 =	simm.s32 @!p1 $0x3;
	[sflag:s14] =	ssyncadd.s32 $0xFFFFE000  }
0x7f: {  	_ =	swait.ge @!p1 [sflag:s6], $0x800  }
0x80: {  	[sflag:s6] =	ssyncset.done @!p1 $0x0  }
0x81: {  	[sflag:s6] =	ssyncadd.s32 @!p1 $0xFFFFF800  }
0x82: {  	[spmem:s3] =	stream.indirect.scatter.add.f32 @!p1 [tilespmem:s26], [sflag:$0x3], $0x10, s5, s24, $0xb8;
	[tilespmem:$0x1AE00] =	vst v63  }
0x83: {  	s26 =	sadd.s32 $0x4F00, s28  }
0x84: {  	[tilespmem:s21], [sflag:$0x1] =	stream.indirect.gather [hbm4b:s10+s20], $0x40, s26, s20, $0xb8;
	[tilespmem:$0x1AE00] =	vst v63  }
0x85: {  	_ =	swait.ge [sflag:s25], $0x2000  }
0x86: {  	[sflag:s25] =	ssyncset.done $0x0  }
0x87: {  	s5 =	sadd.s32 $0x9D80, s28;
	[sflag:s25] =	ssyncadd.s32 $0xFFFFE000  }
0x88: {  	[spmem:s2] =	stream.indirect.scatter.add.f32 [tilespmem:s22], [sflag:$0x4], $0x40, s5, s20, $0xb8;
	[tilespmem:$0x1AE00] =	vst v63  }
0x89: {  	_ =	swait.ge [sflag:s14], $0x2000  }
0x8a: {  	[sflag:s14] =	ssyncset.done $0x0  }
0x8b: {  	s7 =	simm.s32 @p0 $0x3;
	[sflag:s14] =	ssyncadd.s32 $0xFFFFE000  }
0x8c: {  	_ =	swait.ge @p0 [sflag:s7], $0x800  }
0x8d: {  	[sflag:s7] =	ssyncset.done @p0 $0x0  }
0x8e: {  	[sflag:s7] =	ssyncadd.s32 @p0 $0xFFFFF800  }
0x8f: {  	[spmem:s3] =	stream.indirect.scatter.add.f32 @p0 [tilespmem:s16], [sflag:$0x3], $0x10, s5, s1, $0xb8;
	[tilespmem:$0x1AE00] =	vst v63  }
0x90: {  	s28 =	simm.s32 $0x4E80  }
0x91: {  	[tilespmem:s22], [sflag:$0x2] =	stream.indirect.gather [hbm4b:s10+s20], $0x40, s28, s20, $0xb8;
	[tilespmem:$0x1AE00] =	vst v63  }
0x92: {  	_ =	swait.ge [sflag:s23], $0x2000  }
0x93: {  	[sflag:s23] =	ssyncset.done $0x0  }
0x94: {  	s29 =	simm.s32 $0x9D00;
	[sflag:s23] =	ssyncadd.s32 $0xFFFFE000  }
0x95: {  	[spmem:s2] =	stream.indirect.scatter.add.f32 [tilespmem:s21], [sflag:$0x4], $0x40, s29, s20, $0xb8;
	[tilespmem:$0x1AE00] =	vst v63  }
0x96: {  	_ =	swait.ge [sflag:s14], $0x2000  }
0x97: {  	[sflag:s14] =	ssyncset.done $0x0  }
0x98: {  	[sflag:s14] =	ssyncadd.s32 $0xFFFFE000  }
0x99: {  	_ =	swait.ge @!p1 [sflag:s6], $0x800  }
0x9a: {  	s1 =	simm.s32 @!p1 $0x80;
	[sflag:s6] =	ssyncset.done @!p1 $0x0  }
0x9b: {  	s5 =	simm.s32 @!p1 $0x9D00;
	[sflag:s6] =	ssyncadd.s32 @!p1 $0xFFFFF800;
	s6 =	simm.s32 @!p1 $0xDE00  }
0x9c: {  	[spmem:s3] =	stream.indirect.scatter.add.f32 @!p1 [tilespmem:s6], [sflag:$0x3], $0x10, s5, s1, $0xb8;
	[tilespmem:$0x1AE00] =	vst v63  }
0x9d: {  	_ =	swait.ge [sflag:s25], $0x2000  }
0x9e: {  	[sflag:s25] =	ssyncset.done $0x0  }
0x9f: {  	s30 =	simm.s32 $0x9D80;
	[sflag:s25] =	ssyncadd.s32 $0xFFFFE000  }
0xa0: {  	[spmem:s2] =	stream.indirect.scatter.add.f32 [tilespmem:s22], [sflag:$0x4], $0x40, s30, s20, $0xb8;
	[tilespmem:$0x1AE00] =	vst v63  }
0xa1: {  	_ =	swait.ge [sflag:s14], $0x2000  }
0xa2: {  	[sflag:s14] =	ssyncset.done $0x0  }
0xa3: {  	[sflag:s14] =	ssyncadd.s32 $0xFFFFE000  }
0xa4: {  	_ =	swait.ge @p0 [sflag:s7], $0x800  }
0xa5: {  	s1 =	simm.s32 @p0 $0x80;
	[sflag:s7] =	ssyncset.done @p0 $0x0  }
0xa6: {  	s5 =	simm.s32 @p0 $0x9D80;
	s6 =	simm.s32 @p0 $0xDE00;
	[sflag:s7] =	ssyncadd.s32 @p0 $0xFFFFF800  }
0xa7: {  	[spmem:s3] =	stream.indirect.scatter.add.f32 @p0 [tilespmem:s6], [sflag:$0x3], $0x10, s5, s1, $0xb8;
	[tilespmem:$0x1AE00] =	vst v63  }
0xa8: {  	_ =	swait.ge [sflag:s31], $0x800  }
0xa9: {  	[sflag:s31] =	ssyncset.done $0x0  }
0xaa: {  	[sflag:s31] =	ssyncadd.s32 $0xFFFFF800  }
0xab: {  	[bflag:$0x0] =	sbarrier.arrive $0xFFFF  }
0xac: {  	[hbm:s11], [sflag:s17] =	dma.local [spmem:s18], $0x1400  }
0xad: {  	s0 =	sadd.s32 $0x1, s0;
	_ =	swait.ge [sflag:s14], $0x1400  }
0xae: {  	p2 =	sne.s32 s0, s13;
	[sflag:s14] =	ssyncset.done $0x0  }
.Ltmp1:
0xaf: {  	[sflag:s14] =	ssyncadd.s32 $0xFFFFEC00;
	(pc) =	sbr.rel @p2 .LBB2_1-.Ltmp1, $4  }
0xb0: {  	[hbm:s12], [sflag:s17] =	dma.local [spmem:s19], $0x500  }
0xb1: {  	_ =	swait.ge [sflag:s14], $0x500  }
0xb2: {  	[sflag:s14] =	ssyncset.done $0x0  }
0xb3: {  	[sflag:s14] =	ssyncadd.s32 $0xFFFFFB00  }
0xb4: {  	_ =	sfence.sel $0x180000  }
0xb5: {  	[bflag:$0x0] =	sbarrier.arrive $0xFFFF  }
0xb6: {  	_ =	strace $0x90000047  }
0xb7: {  	s0 =	stileid.u32;
	[bflag:$0x2] =	sbarrier.arrive $0xFFFF  }
0xb8: {  	p0 =	sne.s32 s0, $0x0;
	s0 =	rddreg [dreg:$0x4]  }
0xb9: {  	s0 =	sadd.s32 @!p0 $0x100000, s0  }
0xba: {  	[sflag:s0] =	ssyncadd.tile.s32 @!p0 $0x1;
	_ =	shalt  }
.Lfunc_end2:
_tile_overlayer_lowered:
.L_overlay_start_2:
0xbb: {  	(tag) =	ssettag $0x2  }
0xbc: {  	s0 =	rddreg [dreg:$0x0];
	s2 =	stileid.u32  }
0xbd: {  	s1 =	rddreg [dreg:$0x1];
	p0 =	sne.s32 s2, $0x0  }
0xbe: {  	s3 =	rddreg [dreg:$0x2];
	[bflag:$0x3] =	sbarrier.arrive $0xFFFF;
	s2 =	simm.s32 @!p0 $0x1C04  }
0xbf: {  	[timem:s3], [sflag:s2] =	dma.local @!p0 [hbm:s0], s1  }
0xc0: {  	s0 =	simm.s32 @!p0 $0x4  }
0xc1: {  	_ =	swait.ge @!p0 [sflag:s0], s1  }
0xc2: {  	s1 =	ssub.s32 @!p0 $0x0, s1;
	[sflag:s0] =	ssyncset.done @!p0 $0x0  }
0xc3: {  	[sflag:s0] =	ssyncadd.s32 @!p0 s1  }
0xc4: {  	[bflag:$0x3] =	sbarrier.arrive $0xFFFF  }
0xc5: {  	_ =	shalt  }

</sc_bundles>
